<compile_context>
chip_gen: v7x
topology: tpu7x:2x2x1
jax: 0.10.2.dev20260603
libtpu: 0.0.44.dev20260713+nightly
codegen_flags: <defaults>
</compile_context>

<pallas_src>
import functools

import jax
import jax.numpy as jnp
from jax import lax
from jax.experimental import pallas as pl
from jax.experimental.pallas import tpu as pltpu
from jax.experimental.pallas import tpu_sc as plsc

N = 10000
E = 320000
D_IN = 128
HID = 64

NC = 2
NS = 16
TILES = NC * NS
C = 80
NCH_IN = 126
NCH_HID = 128
SC_SIZES_IN = [10080] * 11 + [9840] * 4 + [9760]
SC_SIZES_HID = [10240] * 4 + [9920] * 12
ROWS = 624
NACC = N + 8
TAIL = NACC - NS * ROWS
OTAIL = N - NS * ROWS

_mesh = plsc.VectorSubcoreMesh(core_axis_name="c", subcore_axis_name="s")


def _make_sc_segsum(D, NCH):
    @functools.partial(
        pl.kernel,
        out_type=jax.ShapeDtypeStruct((NC, N, D), jnp.float32),
        mesh=_mesh,
        compiler_params=pltpu.CompilerParams(use_tc_tiling_on_sc=False),
        scratch_types=[
            pltpu.VMEM((NCH, C), jnp.int32),
            pltpu.VMEM((NCH, C), jnp.int32),
            pltpu.VMEM((C, D), jnp.float32),
            pltpu.VMEM_SHARED((NACC, D), jnp.float32),
            pltpu.SemaphoreType.DMA,
        ],
    )
    def _sc_segsum(x_hbm, src_hbm, dst_hbm, zero_hbm, out_hbm,
                   src_v, dst_v, rows_v, acc_sh, sem):
        c = lax.axis_index("c")
        s = lax.axis_index("s")
        tid = c * NS + s
        pltpu.sync_copy(zero_hbm.at[pl.ds(s * ROWS, ROWS)],
                        acc_sh.at[pl.ds(s * ROWS, ROWS)])

        @pl.when(s == 0)
        def _():
            pltpu.sync_copy(zero_hbm.at[pl.ds(NS * ROWS, TAIL)],
                            acc_sh.at[pl.ds(NS * ROWS, TAIL)])

        pltpu.sync_copy(src_hbm.at[tid], src_v)
        pltpu.sync_copy(dst_hbm.at[tid], dst_v)
        plsc.subcore_barrier()

        def body(j, carry):
            pltpu.async_copy(x_hbm.at[src_v.at[j]], rows_v, sem).wait()
            pltpu.sync_copy(rows_v, acc_sh.at[dst_v.at[j]], add=True)
            return carry

        lax.fori_loop(0, NCH, body, 0)
        plsc.subcore_barrier()
        pltpu.sync_copy(acc_sh.at[pl.ds(s * ROWS, ROWS)],
                        out_hbm.at[c, pl.ds(s * ROWS, ROWS)])

        @pl.when(s == 0)
        def _():
            pltpu.sync_copy(acc_sh.at[pl.ds(NS * ROWS, OTAIL)],
                            out_hbm.at[c, pl.ds(NS * ROWS, OTAIL)])

    return _sc_segsum


_sc_segsum_in = _make_sc_segsum(D_IN, NCH_IN)
_sc_segsum_hid = _make_sc_segsum(HID, NCH_HID)


def _tc_mlp(x, parts, w1, b1, w2, b2):
    def body(x_ref, p_ref, w1_ref, b1_ref, w2_ref, b2_ref, o_ref):
        r = x_ref[...] + (p_ref[0] + p_ref[1])
        r1 = jnp.maximum(
            jnp.dot(r, w1_ref[...], preferred_element_type=jnp.float32)
            + b1_ref[...], 0.0)
        o_ref[...] = jnp.dot(r1, w2_ref[...],
                             preferred_element_type=jnp.float32) + b2_ref[...]

    return pl.pallas_call(
        body,
        out_shape=jax.ShapeDtypeStruct((N, HID), jnp.float32),
    )(x, parts, w1, b1, w2, b2)


def _tc_bn(r2, mean, var, gamma, beta):
    def body(r_ref, m_ref, v_ref, g_ref, be_ref, o_ref):
        xn = (g_ref[...] * (r_ref[...] - m_ref[...])
              * lax.rsqrt(v_ref[...] + 1e-5) + be_ref[...])
        o_ref[...] = jnp.maximum(xn, 0.0)

    return pl.pallas_call(
        body,
        out_shape=jax.ShapeDtypeStruct((N, HID), jnp.float32),
    )(r2, mean, var, gamma, beta)


def _prep_edges(edge_index, sizes, nch):
    src, dst = edge_index[0], edge_index[1]
    order = jnp.argsort(dst, stable=True)
    ssrc, sdst = src[order], dst[order]
    srcs, dsts = [], []
    off = 0
    for sz in sizes * NC:
        pad = nch * C - sz
        s_seg = lax.dynamic_slice_in_dim(ssrc, off, sz)
        d_seg = lax.dynamic_slice_in_dim(sdst, off, sz)
        if pad:
            s_seg = jnp.concatenate([s_seg, jnp.zeros((pad,), jnp.int32)])
            d_seg = jnp.concatenate(
                [d_seg, jnp.full((pad,), N, jnp.int32)])
        srcs.append(s_seg)
        dsts.append(d_seg)
        off += sz
    srcr = jnp.stack(srcs).reshape(TILES, nch, C)
    dstr = jnp.stack(dsts).reshape(TILES, nch, C)
    return srcr, dstr


def kernel(h, edge_index, params):
    srcr_in, dstr_in = _prep_edges(edge_index, SC_SIZES_IN, NCH_IN)
    srcr_hid, dstr_hid = _prep_edges(edge_index, SC_SIZES_HID, NCH_HID)
    zero_in = jnp.zeros((NACC, D_IN), jnp.float32)
    zero_hid = jnp.zeros((NACC, HID), jnp.float32)
    b1 = [b.reshape(1, HID) for b in params["b1"]]
    b2 = [b.reshape(1, HID) for b in params["b2"]]
    gamma = [g.reshape(1, HID) for g in params["gamma"]]
    beta = [b.reshape(1, HID) for b in params["beta"]]

    x = h
    for l in range(4):
        if l == 0:
            parts = _sc_segsum_in(x, srcr_in, dstr_in, zero_in)
        else:
            parts = _sc_segsum_hid(x, srcr_hid, dstr_hid, zero_hid)
        r2 = _tc_mlp(x, parts, params["W1"][l], b1[l], params["W2"][l],
                     b2[l])
        mean = jnp.mean(r2, axis=0).reshape(1, HID)
        var = jnp.var(r2, axis=0).reshape(1, HID)
        x = _tc_bn(r2, mean, var, gamma[l], beta[l])
    return x

# --- scband reference (transcript-rebuilt; emitter-appended) ---
"""Pipeline reference for scband-gin-36481452212846 (READ-ONLY COPY).

The authoritative reference and input builder live on the scoring server;
editing this copy changes nothing except your own understanding.
"""

import jax, jax.numpy as jnp
import numpy as np

N = 10000
E = 320000
D_IN = 128
HID = 64
NUM_LAYERS = 4


def setup_inputs(seed: int = 0) -> dict:
    key = jax.random.key(seed)
    ks = jax.random.split(key, 2 + 4 * NUM_LAYERS)
    h = jax.random.normal(ks[0], (N, D_IN), dtype=jnp.float32)
    edge_index = jax.random.randint(ks[1], (2, E), 0, N, dtype=jnp.int32)
    W1, b1, W2, b2, gamma, beta = [], [], [], [], [], []
    for l in range(NUM_LAYERS):
        in_dim = D_IN if l == 0 else HID
        W1.append(jax.random.normal(ks[2 + 4 * l], (in_dim, HID), dtype=jnp.float32) * (1.0 / np.sqrt(in_dim)))
        b1.append(jnp.zeros((HID,), dtype=jnp.float32))
        W2.append(jax.random.normal(ks[3 + 4 * l], (HID, HID), dtype=jnp.float32) * (1.0 / np.sqrt(HID)))
        b2.append(jnp.zeros((HID,), dtype=jnp.float32))
        gamma.append(jnp.ones((HID,), dtype=jnp.float32))
        beta.append(jnp.zeros((HID,), dtype=jnp.float32))
    params = {"W1": W1, "b1": b1, "W2": W2, "b2": b2, "gamma": gamma, "beta": beta}
    return {"h": h, "edge_index": edge_index, "params": params}


def reference(h, edge_index, params):
    # GIN with 4 GINConv layers (DGL semantics, learn_eps=False -> eps=0, sum aggregator)
    # each followed by BatchNorm1d (training-mode batch stats) and ReLU.
    src = edge_index[0]
    dst = edge_index[1]
    x = h
    for l in range(NUM_LAYERS):
        # message passing: sum of neighbor features scattered to destination nodes
        agg = jax.ops.segment_sum(x[src], dst, num_segments=N)
        r = x + agg  # (1 + eps) * x + agg with eps = 0
        # apply_func MLP: Linear -> ReLU -> Linear
        r = jnp.maximum(r @ params["W1"][l] + params["b1"][l], 0.0)
        r = r @ params["W2"][l] + params["b2"][l]
        # BatchNorm1d (batch statistics, eps=1e-5)
        mean = jnp.mean(r, axis=0)
        var = jnp.var(r, axis=0)
        r = params["gamma"][l] * (r - mean) * jax.lax.rsqrt(var + 1e-5) + params["beta"][l]
        x = jnp.maximum(r, 0.0)
    return x

if __name__ == "__main__":
    import jax
    _d = setup_inputs()
    print(jax.jit(kernel)(*tuple(_d.values())))

</pallas_src>

<mosaic_0001>
#map = affine_map<(d0, d1) -> (0, 0)>
#map1 = affine_map<(d0, d1) -> (0, 0, 0)>
module attributes {stable_mosaic.version = 14 : i64} {
  func.func @_sc_segsum(%arg0: i32, %arg1: i32, %arg2: memref<10000x64xf32, #tpu.memory_space<hbm>>, %arg3: memref<32x128x80xi32, #tpu.memory_space<hbm>>, %arg4: memref<32x128x80xi32, #tpu.memory_space<hbm>>, %arg5: memref<10008x64xf32, #tpu.memory_space<hbm>>, %arg6: memref<2x10000x64xf32, #tpu.memory_space<hbm>>, %arg7: memref<128x80xi32, #tpu.memory_space<vmem>>, %arg8: memref<128x80xi32, #tpu.memory_space<vmem>>, %arg9: memref<80x64xf32, #tpu.memory_space<vmem>>, %arg10: memref<10008x64xf32, #tpu.memory_space<vmem_shared>>, %arg11: memref<!tpu.dma_semaphore, #tpu.memory_space<semaphore_mem>>) attributes {dimension_semantics = [#tpu.dimension_semantics<core_parallel>, #tpu.dimension_semantics<subcore_parallel>], iteration_bounds = array<i64: 2, 16>, scalar_prefetch = 0 : i64, scratch_operands = 5 : i64, tpu.core_type = #tpu.core_type<sc_vector_subcore>, window_params = [{transform_indices = #map}, {transform_indices = #map1}, {transform_indices = #map1}, {transform_indices = #map}, {transform_indices = #map1}]} {
    %mul3A = arith.constant 16 : i32
    %mul3A_0 = arith.muli %arg0, %mul3A : i32
    %add3A = arith.addi %mul3A_0, %arg1 : i32
    %mul3A_1 = arith.constant 624 : i32
    %mul3A_2 = arith.muli %arg1, %mul3A_1 : i32
    %mul3A_3 = arith.constant 624 : i32
    %mul3A_4 = arith.muli %arg1, %mul3A_3 : i32
    "tpu.region"() ({
      %run_scoped3A = tpu.sem_alloc : memref<!tpu.dma_semaphore, #tpu.memory_space<semaphore_mem>>
      %dma_start3A = arith.constant 0 : i32
      %dma_start3A_22 = tpu.memref_slice %arg10[%mul3A_4, %dma_start3A] : memref<10008x64xf32, #tpu.memory_space<vmem_shared>> -> memref<624x64xf32, #tpu.memory_space<vmem_shared>>
      %dma_start3A_23 = arith.constant 0 : i32
      %dma_start3A_24 = tpu.memref_slice %arg5[%mul3A_2, %dma_start3A_23] : memref<10008x64xf32, #tpu.memory_space<hbm>> -> memref<624x64xf32, #tpu.memory_space<hbm>>
      tpu.enqueue_dma source(%dma_start3A_24 : memref<624x64xf32, #tpu.memory_space<hbm>>) target(%dma_start3A_22 : memref<624x64xf32, #tpu.memory_space<vmem_shared>>) target_semaphore(%run_scoped3A : memref<!tpu.dma_semaphore, #tpu.memory_space<semaphore_mem>>)
      %dma_wait3A = arith.constant 0 : i32
      %dma_wait3A_25 = tpu.memref_slice %arg10[%mul3A_4, %dma_wait3A] : memref<10008x64xf32, #tpu.memory_space<vmem_shared>> -> memref<624x64xf32, #tpu.memory_space<vmem_shared>>
      %dma_wait3A_26 = arith.constant 0 : i32
      %dma_wait3A_27 = tpu.memref_slice %arg5[%mul3A_2, %dma_wait3A_26] : memref<10008x64xf32, #tpu.memory_space<hbm>> -> memref<624x64xf32, #tpu.memory_space<hbm>>
      tpu.wait_dma2 semaphore(%run_scoped3A : memref<!tpu.dma_semaphore, #tpu.memory_space<semaphore_mem>>) src(%dma_wait3A_27 : memref<624x64xf32, #tpu.memory_space<hbm>>) dst(%dma_wait3A_25 : memref<624x64xf32, #tpu.memory_space<vmem_shared>>)
      tpu.yield
    }) : () -> ()
    %eq3A = arith.constant 0 : i32
    %eq3A_5 = arith.cmpi eq, %arg1, %eq3A : i32
    %convert_element_type3A = arith.extui %eq3A_5 : i1 to i32
    %cond3A = arith.constant 0 : i32
    %cond3A_6 = arith.cmpi ne, %convert_element_type3A, %cond3A : i32
    scf.if %cond3A_6 {
      "tpu.region"() ({
        %run_scoped3A = tpu.sem_alloc : memref<!tpu.dma_semaphore, #tpu.memory_space<semaphore_mem>>
        %dma_start3A = arith.constant 9984 : i32
        %dma_start3A_22 = arith.constant 0 : i32
        %dma_start3A_23 = tpu.memref_slice %arg10[%dma_start3A, %dma_start3A_22] : memref<10008x64xf32, #tpu.memory_space<vmem_shared>> -> memref<24x64xf32, #tpu.memory_space<vmem_shared>>
        %dma_start3A_24 = arith.constant 9984 : i32
        %dma_start3A_25 = arith.constant 0 : i32
        %dma_start3A_26 = tpu.memref_slice %arg5[%dma_start3A_24, %dma_start3A_25] : memref<10008x64xf32, #tpu.memory_space<hbm>> -> memref<24x64xf32, #tpu.memory_space<hbm>>
        tpu.enqueue_dma source(%dma_start3A_26 : memref<24x64xf32, #tpu.memory_space<hbm>>) target(%dma_start3A_23 : memref<24x64xf32, #tpu.memory_space<vmem_shared>>) target_semaphore(%run_scoped3A : memref<!tpu.dma_semaphore, #tpu.memory_space<semaphore_mem>>)
        %dma_wait3A = arith.constant 9984 : i32
        %dma_wait3A_27 = arith.constant 0 : i32
        %dma_wait3A_28 = tpu.memref_slice %arg10[%dma_wait3A, %dma_wait3A_27] : memref<10008x64xf32, #tpu.memory_space<vmem_shared>> -> memref<24x64xf32, #tpu.memory_space<vmem_shared>>
        %dma_wait3A_29 = arith.constant 9984 : i32
        %dma_wait3A_30 = arith.constant 0 : i32
        %dma_wait3A_31 = tpu.memref_slice %arg5[%dma_wait3A_29, %dma_wait3A_30] : memref<10008x64xf32, #tpu.memory_space<hbm>> -> memref<24x64xf32, #tpu.memory_space<hbm>>
        tpu.wait_dma2 semaphore(%run_scoped3A : memref<!tpu.dma_semaphore, #tpu.memory_space<semaphore_mem>>) src(%dma_wait3A_31 : memref<24x64xf32, #tpu.memory_space<hbm>>) dst(%dma_wait3A_28 : memref<24x64xf32, #tpu.memory_space<vmem_shared>>)
        tpu.yield
      }) : () -> ()
    } else {
    }
    "tpu.region"() ({
      %run_scoped3A = tpu.sem_alloc : memref<!tpu.dma_semaphore, #tpu.memory_space<semaphore_mem>>
      %dma_start3A = arith.constant 0 : i32
      %dma_start3A_22 = arith.constant 0 : i32
      %dma_start3A_23 = tpu.memref_slice %arg3[%add3A, %dma_start3A, %dma_start3A_22] : memref<32x128x80xi32, #tpu.memory_space<hbm>> -> memref<1x128x80xi32, #tpu.memory_space<hbm>>
      %dma_start3A_24 = tpu.memref_squeeze %dma_start3A_23 : memref<1x128x80xi32, #tpu.memory_space<hbm>> -> memref<128x80xi32, #tpu.memory_space<hbm>>
      %dma_start3A_25 = arith.constant 0 : i32
      %dma_start3A_26 = arith.constant 0 : i32
      %dma_start3A_27 = tpu.memref_slice %arg3[%add3A, %dma_start3A_25, %dma_start3A_26] : memref<32x128x80xi32, #tpu.memory_space<hbm>> -> memref<1x128x80xi32, #tpu.memory_space<hbm>>
      %dma_start3A_28 = tpu.memref_squeeze %dma_start3A_27 : memref<1x128x80xi32, #tpu.memory_space<hbm>> -> memref<128x80xi32, #tpu.memory_space<hbm>>
      tpu.enqueue_dma source(%dma_start3A_28 : memref<128x80xi32, #tpu.memory_space<hbm>>) target(%arg7 : memref<128x80xi32, #tpu.memory_space<vmem>>) target_semaphore(%run_scoped3A : memref<!tpu.dma_semaphore, #tpu.memory_space<semaphore_mem>>)
      %dma_wait3A = arith.constant 0 : i32
      %dma_wait3A_29 = arith.constant 0 : i32
      %dma_wait3A_30 = tpu.memref_slice %arg3[%add3A, %dma_wait3A, %dma_wait3A_29] : memref<32x128x80xi32, #tpu.memory_space<hbm>> -> memref<1x128x80xi32, #tpu.memory_space<hbm>>
      %dma_wait3A_31 = tpu.memref_squeeze %dma_wait3A_30 : memref<1x128x80xi32, #tpu.memory_space<hbm>> -> memref<128x80xi32, #tpu.memory_space<hbm>>
      %dma_wait3A_32 = arith.constant 0 : i32
      %dma_wait3A_33 = arith.constant 0 : i32
      %dma_wait3A_34 = tpu.memref_slice %arg3[%add3A, %dma_wait3A_32, %dma_wait3A_33] : memref<32x128x80xi32, #tpu.memory_space<hbm>> -> memref<1x128x80xi32, #tpu.memory_space<hbm>>
      %dma_wait3A_35 = tpu.memref_squeeze %dma_wait3A_34 : memref<1x128x80xi32, #tpu.memory_space<hbm>> -> memref<128x80xi32, #tpu.memory_space<hbm>>
      tpu.wait_dma2 semaphore(%run_scoped3A : memref<!tpu.dma_semaphore, #tpu.memory_space<semaphore_mem>>) src(%dma_wait3A_35 : memref<128x80xi32, #tpu.memory_space<hbm>>) dst(%arg7 : memref<128x80xi32, #tpu.memory_space<vmem>>)
      tpu.yield
    }) : () -> ()
    "tpu.region"() ({
      %run_scoped3A = tpu.sem_alloc : memref<!tpu.dma_semaphore, #tpu.memory_space<semaphore_mem>>
      %dma_start3A = arith.constant 0 : i32
      %dma_start3A_22 = arith.constant 0 : i32
      %dma_start3A_23 = tpu.memref_slice %arg4[%add3A, %dma_start3A, %dma_start3A_22] : memref<32x128x80xi32, #tpu.memory_space<hbm>> -> memref<1x128x80xi32, #tpu.memory_space<hbm>>
      %dma_start3A_24 = tpu.memref_squeeze %dma_start3A_23 : memref<1x128x80xi32, #tpu.memory_space<hbm>> -> memref<128x80xi32, #tpu.memory_space<hbm>>
      %dma_start3A_25 = arith.constant 0 : i32
      %dma_start3A_26 = arith.constant 0 : i32
      %dma_start3A_27 = tpu.memref_slice %arg4[%add3A, %dma_start3A_25, %dma_start3A_26] : memref<32x128x80xi32, #tpu.memory_space<hbm>> -> memref<1x128x80xi32, #tpu.memory_space<hbm>>
      %dma_start3A_28 = tpu.memref_squeeze %dma_start3A_27 : memref<1x128x80xi32, #tpu.memory_space<hbm>> -> memref<128x80xi32, #tpu.memory_space<hbm>>
      tpu.enqueue_dma source(%dma_start3A_28 : memref<128x80xi32, #tpu.memory_space<hbm>>) target(%arg8 : memref<128x80xi32, #tpu.memory_space<vmem>>) target_semaphore(%run_scoped3A : memref<!tpu.dma_semaphore, #tpu.memory_space<semaphore_mem>>)
      %dma_wait3A = arith.constant 0 : i32
      %dma_wait3A_29 = arith.constant 0 : i32
      %dma_wait3A_30 = tpu.memref_slice %arg4[%add3A, %dma_wait3A, %dma_wait3A_29] : memref<32x128x80xi32, #tpu.memory_space<hbm>> -> memref<1x128x80xi32, #tpu.memory_space<hbm>>
      %dma_wait3A_31 = tpu.memref_squeeze %dma_wait3A_30 : memref<1x128x80xi32, #tpu.memory_space<hbm>> -> memref<128x80xi32, #tpu.memory_space<hbm>>
      %dma_wait3A_32 = arith.constant 0 : i32
      %dma_wait3A_33 = arith.constant 0 : i32
      %dma_wait3A_34 = tpu.memref_slice %arg4[%add3A, %dma_wait3A_32, %dma_wait3A_33] : memref<32x128x80xi32, #tpu.memory_space<hbm>> -> memref<1x128x80xi32, #tpu.memory_space<hbm>>
      %dma_wait3A_35 = tpu.memref_squeeze %dma_wait3A_34 : memref<1x128x80xi32, #tpu.memory_space<hbm>> -> memref<128x80xi32, #tpu.memory_space<hbm>>
      tpu.wait_dma2 semaphore(%run_scoped3A : memref<!tpu.dma_semaphore, #tpu.memory_space<semaphore_mem>>) src(%dma_wait3A_35 : memref<128x80xi32, #tpu.memory_space<hbm>>) dst(%arg8 : memref<128x80xi32, #tpu.memory_space<vmem>>)
      tpu.yield
    }) : () -> ()
    %barrier3A = arith.constant 0 : index
    tpu.barrier barrier_id(%barrier3A)
    %scan3A = arith.constant 0 : i32
    %scan3A_7 = arith.constant 0 : i32
    %scan3A_8 = arith.constant 128 : i32
    %scan3A_9 = arith.addi %scan3A_7, %scan3A_8 : i32
    %scan3A_10 = arith.constant 1 : i32
    scf.for %scan3A_22 = %scan3A_7 to %scan3A_9 step %scan3A_10  : i32 {
      %dma_start3A = arith.constant 0 : i32
      %dma_start3A_23 = tpu.memref_slice %arg7[%scan3A_22, %dma_start3A] : memref<128x80xi32, #tpu.memory_space<vmem>> -> memref<1x80xi32, #tpu.memory_space<vmem>>
      %dma_start3A_24 = tpu.memref_squeeze %dma_start3A_23 : memref<1x80xi32, #tpu.memory_space<vmem>> -> memref<80xi32, #tpu.memory_space<vmem>>
      %dma_start3A_25 = arith.constant 0 : i32
      %dma_start3A_26 = arith.constant 0 : i32
      %dma_start3A_27 = tpu.memref_slice %arg2[%dma_start3A_25, %dma_start3A_26] : memref<10000x64xf32, #tpu.memory_space<hbm>> -> memref<10000x64xf32, #tpu.memory_space<hbm>>
      tpu.enqueue_indirect_dma source(%dma_start3A_27 : memref<10000x64xf32, #tpu.memory_space<hbm>>) target(%arg9 : memref<80x64xf32, #tpu.memory_space<vmem>>) offsets(%dma_start3A_24 : memref<80xi32, #tpu.memory_space<vmem>>) semaphore(%arg11 : memref<!tpu.dma_semaphore, #tpu.memory_space<semaphore_mem>>)
      %dma_wait3A = arith.constant 0 : i32
      %dma_wait3A_28 = tpu.memref_slice %arg7[%scan3A_22, %dma_wait3A] : memref<128x80xi32, #tpu.memory_space<vmem>> -> memref<1x80xi32, #tpu.memory_space<vmem>>
      %dma_wait3A_29 = tpu.memref_squeeze %dma_wait3A_28 : memref<1x80xi32, #tpu.memory_space<vmem>> -> memref<80xi32, #tpu.memory_space<vmem>>
      %dma_wait3A_30 = arith.constant 0 : i32
      %dma_wait3A_31 = arith.constant 0 : i32
      %dma_wait3A_32 = tpu.memref_slice %arg2[%dma_wait3A_30, %dma_wait3A_31] : memref<10000x64xf32, #tpu.memory_space<hbm>> -> memref<10000x64xf32, #tpu.memory_space<hbm>>
      tpu.wait_indirect_dma semaphore(%arg11 : memref<!tpu.dma_semaphore, #tpu.memory_space<semaphore_mem>>) src(%dma_wait3A_32 : memref<10000x64xf32, #tpu.memory_space<hbm>>) dst(%arg9 : memref<80x64xf32, #tpu.memory_space<vmem>>)
      "tpu.region"() ({
        %run_scoped3A = tpu.sem_alloc : memref<!tpu.dma_semaphore, #tpu.memory_space<semaphore_mem>>
        %dma_start3A_33 = arith.constant 0 : i32
        %dma_start3A_34 = tpu.memref_slice %arg8[%scan3A_22, %dma_start3A_33] : memref<128x80xi32, #tpu.memory_space<vmem>> -> memref<1x80xi32, #tpu.memory_space<vmem>>
        %dma_start3A_35 = tpu.memref_squeeze %dma_start3A_34 : memref<1x80xi32, #tpu.memory_space<vmem>> -> memref<80xi32, #tpu.memory_space<vmem>>
        %dma_start3A_36 = arith.constant 0 : i32
        %dma_start3A_37 = arith.constant 0 : i32
        %dma_start3A_38 = tpu.memref_slice %arg10[%dma_start3A_36, %dma_start3A_37] : memref<10008x64xf32, #tpu.memory_space<vmem_shared>> -> memref<10008x64xf32, #tpu.memory_space<vmem_shared>>
        tpu.enqueue_indirect_dma source(%arg9 : memref<80x64xf32, #tpu.memory_space<vmem>>) target(%dma_start3A_38 : memref<10008x64xf32, #tpu.memory_space<vmem_shared>>) offsets(%dma_start3A_35 : memref<80xi32, #tpu.memory_space<vmem>>) semaphore(%run_scoped3A : memref<!tpu.dma_semaphore, #tpu.memory_space<semaphore_mem>>) {add = true}
        %dma_wait3A_39 = arith.constant 0 : i32
        %dma_wait3A_40 = tpu.memref_slice %arg8[%scan3A_22, %dma_wait3A_39] : memref<128x80xi32, #tpu.memory_space<vmem>> -> memref<1x80xi32, #tpu.memory_space<vmem>>
        %dma_wait3A_41 = tpu.memref_squeeze %dma_wait3A_40 : memref<1x80xi32, #tpu.memory_space<vmem>> -> memref<80xi32, #tpu.memory_space<vmem>>
        %dma_wait3A_42 = arith.constant 0 : i32
        %dma_wait3A_43 = arith.constant 0 : i32
        %dma_wait3A_44 = tpu.memref_slice %arg10[%dma_wait3A_42, %dma_wait3A_43] : memref<10008x64xf32, #tpu.memory_space<vmem_shared>> -> memref<10008x64xf32, #tpu.memory_space<vmem_shared>>
        tpu.wait_indirect_dma semaphore(%run_scoped3A : memref<!tpu.dma_semaphore, #tpu.memory_space<semaphore_mem>>) src(%arg9 : memref<80x64xf32, #tpu.memory_space<vmem>>) dst(%dma_wait3A_44 : memref<10008x64xf32, #tpu.memory_space<vmem_shared>>)
        tpu.yield
      }) : () -> ()
    }
    %scan3A_11 = arith.constant 128 : i32
    %barrier3A_12 = arith.constant 0 : index
    tpu.barrier barrier_id(%barrier3A_12)
    %mul3A_13 = arith.constant 624 : i32
    %mul3A_14 = arith.muli %arg1, %mul3A_13 : i32
    %mul3A_15 = arith.constant 624 : i32
    %mul3A_16 = arith.muli %arg1, %mul3A_15 : i32
    "tpu.region"() ({
      %run_scoped3A = tpu.sem_alloc : memref<!tpu.dma_semaphore, #tpu.memory_space<semaphore_mem>>
      %dma_start3A = arith.constant 0 : i32
      %dma_start3A_22 = tpu.memref_slice %arg6[%arg0, %mul3A_16, %dma_start3A] : memref<2x10000x64xf32, #tpu.memory_space<hbm>> -> memref<1x624x64xf32, #tpu.memory_space<hbm>>
      %dma_start3A_23 = tpu.memref_squeeze %dma_start3A_22 : memref<1x624x64xf32, #tpu.memory_space<hbm>> -> memref<624x64xf32, #tpu.memory_space<hbm>>
      %dma_start3A_24 = arith.constant 0 : i32
      %dma_start3A_25 = tpu.memref_slice %arg10[%mul3A_14, %dma_start3A_24] : memref<10008x64xf32, #tpu.memory_space<vmem_shared>> -> memref<624x64xf32, #tpu.memory_space<vmem_shared>>
      tpu.enqueue_dma source(%dma_start3A_25 : memref<624x64xf32, #tpu.memory_space<vmem_shared>>) target(%dma_start3A_23 : memref<624x64xf32, #tpu.memory_space<hbm>>) target_semaphore(%run_scoped3A : memref<!tpu.dma_semaphore, #tpu.memory_space<semaphore_mem>>)
      %dma_wait3A = arith.constant 0 : i32
      %dma_wait3A_26 = tpu.memref_slice %arg6[%arg0, %mul3A_16, %dma_wait3A] : memref<2x10000x64xf32, #tpu.memory_space<hbm>> -> memref<1x624x64xf32, #tpu.memory_space<hbm>>
      %dma_wait3A_27 = tpu.memref_squeeze %dma_wait3A_26 : memref<1x624x64xf32, #tpu.memory_space<hbm>> -> memref<624x64xf32, #tpu.memory_space<hbm>>
      %dma_wait3A_28 = arith.constant 0 : i32
      %dma_wait3A_29 = tpu.memref_slice %arg10[%mul3A_14, %dma_wait3A_28] : memref<10008x64xf32, #tpu.memory_space<vmem_shared>> -> memref<624x64xf32, #tpu.memory_space<vmem_shared>>
      tpu.wait_dma2 semaphore(%run_scoped3A : memref<!tpu.dma_semaphore, #tpu.memory_space<semaphore_mem>>) src(%dma_wait3A_29 : memref<624x64xf32, #tpu.memory_space<vmem_shared>>) dst(%dma_wait3A_27 : memref<624x64xf32, #tpu.memory_space<hbm>>)
      tpu.yield
    }) : () -> ()
    %eq3A_17 = arith.constant 0 : i32
    %eq3A_18 = arith.cmpi eq, %arg1, %eq3A_17 : i32
    %convert_element_type3A_19 = arith.extui %eq3A_18 : i1 to i32
    %cond3A_20 = arith.constant 0 : i32
    %cond3A_21 = arith.cmpi ne, %convert_element_type3A_19, %cond3A_20 : i32
    scf.if %cond3A_21 {
      "tpu.region"() ({
        %run_scoped3A = tpu.sem_alloc : memref<!tpu.dma_semaphore, #tpu.memory_space<semaphore_mem>>
        %dma_start3A = arith.constant 9984 : i32
        %dma_start3A_22 = arith.constant 0 : i32
        %dma_start3A_23 = tpu.memref_slice %arg6[%arg0, %dma_start3A, %dma_start3A_22] : memref<2x10000x64xf32, #tpu.memory_space<hbm>> -> memref<1x16x64xf32, #tpu.memory_space<hbm>>
        %dma_start3A_24 = tpu.memref_squeeze %dma_start3A_23 : memref<1x16x64xf32, #tpu.memory_space<hbm>> -> memref<16x64xf32, #tpu.memory_space<hbm>>
        %dma_start3A_25 = arith.constant 9984 : i32
        %dma_start3A_26 = arith.constant 0 : i32
        %dma_start3A_27 = tpu.memref_slice %arg10[%dma_start3A_25, %dma_start3A_26] : memref<10008x64xf32, #tpu.memory_space<vmem_shared>> -> memref<16x64xf32, #tpu.memory_space<vmem_shared>>
        tpu.enqueue_dma source(%dma_start3A_27 : memref<16x64xf32, #tpu.memory_space<vmem_shared>>) target(%dma_start3A_24 : memref<16x64xf32, #tpu.memory_space<hbm>>) target_semaphore(%run_scoped3A : memref<!tpu.dma_semaphore, #tpu.memory_space<semaphore_mem>>)
        %dma_wait3A = arith.constant 9984 : i32
        %dma_wait3A_28 = arith.constant 0 : i32
        %dma_wait3A_29 = tpu.memref_slice %arg6[%arg0, %dma_wait3A, %dma_wait3A_28] : memref<2x10000x64xf32, #tpu.memory_space<hbm>> -> memref<1x16x64xf32, #tpu.memory_space<hbm>>
        %dma_wait3A_30 = tpu.memref_squeeze %dma_wait3A_29 : memref<1x16x64xf32, #tpu.memory_space<hbm>> -> memref<16x64xf32, #tpu.memory_space<hbm>>
        %dma_wait3A_31 = arith.constant 9984 : i32
        %dma_wait3A_32 = arith.constant 0 : i32
        %dma_wait3A_33 = tpu.memref_slice %arg10[%dma_wait3A_31, %dma_wait3A_32] : memref<10008x64xf32, #tpu.memory_space<vmem_shared>> -> memref<16x64xf32, #tpu.memory_space<vmem_shared>>
        tpu.wait_dma2 semaphore(%run_scoped3A : memref<!tpu.dma_semaphore, #tpu.memory_space<semaphore_mem>>) src(%dma_wait3A_33 : memref<16x64xf32, #tpu.memory_space<vmem_shared>>) dst(%dma_wait3A_30 : memref<16x64xf32, #tpu.memory_space<hbm>>)
        tpu.yield
      }) : () -> ()
    } else {
    }
    return
  }
}

#map = affine_map<(d0, d1) -> (0, 0)>
#map1 = affine_map<(d0, d1) -> (0, 0, 0)>
module attributes {stable_mosaic.version = 14 : i64} {
  func.func @_sc_segsum(%arg0: i32, %arg1: i32, %arg2: memref<10000x128xf32, #tpu.memory_space<hbm>>, %arg3: memref<32x126x80xi32, #tpu.memory_space<hbm>>, %arg4: memref<32x126x80xi32, #tpu.memory_space<hbm>>, %arg5: memref<10008x128xf32, #tpu.memory_space<hbm>>, %arg6: memref<2x10000x128xf32, #tpu.memory_space<hbm>>, %arg7: memref<126x80xi32, #tpu.memory_space<vmem>>, %arg8: memref<126x80xi32, #tpu.memory_space<vmem>>, %arg9: memref<80x128xf32, #tpu.memory_space<vmem>>, %arg10: memref<10008x128xf32, #tpu.memory_space<vmem_shared>>, %arg11: memref<!tpu.dma_semaphore, #tpu.memory_space<semaphore_mem>>) attributes {dimension_semantics = [#tpu.dimension_semantics<core_parallel>, #tpu.dimension_semantics<subcore_parallel>], iteration_bounds = array<i64: 2, 16>, scalar_prefetch = 0 : i64, scratch_operands = 5 : i64, tpu.core_type = #tpu.core_type<sc_vector_subcore>, window_params = [{transform_indices = #map}, {transform_indices = #map1}, {transform_indices = #map1}, {transform_indices = #map}, {transform_indices = #map1}]} {
    %mul3A = arith.constant 16 : i32
    %mul3A_0 = arith.muli %arg0, %mul3A : i32
    %add3A = arith.addi %mul3A_0, %arg1 : i32
    %mul3A_1 = arith.constant 624 : i32
    %mul3A_2 = arith.muli %arg1, %mul3A_1 : i32
    %mul3A_3 = arith.constant 624 : i32
    %mul3A_4 = arith.muli %arg1, %mul3A_3 : i32
    "tpu.region"() ({
      %run_scoped3A = tpu.sem_alloc : memref<!tpu.dma_semaphore, #tpu.memory_space<semaphore_mem>>
      %dma_start3A = arith.constant 0 : i32
      %dma_start3A_22 = tpu.memref_slice %arg10[%mul3A_4, %dma_start3A] : memref<10008x128xf32, #tpu.memory_space<vmem_shared>> -> memref<624x128xf32, #tpu.memory_space<vmem_shared>>
      %dma_start3A_23 = arith.constant 0 : i32
      %dma_start3A_24 = tpu.memref_slice %arg5[%mul3A_2, %dma_start3A_23] : memref<10008x128xf32, #tpu.memory_space<hbm>> -> memref<624x128xf32, #tpu.memory_space<hbm>>
      tpu.enqueue_dma source(%dma_start3A_24 : memref<624x128xf32, #tpu.memory_space<hbm>>) target(%dma_start3A_22 : memref<624x128xf32, #tpu.memory_space<vmem_shared>>) target_semaphore(%run_scoped3A : memref<!tpu.dma_semaphore, #tpu.memory_space<semaphore_mem>>)
      %dma_wait3A = arith.constant 0 : i32
      %dma_wait3A_25 = tpu.memref_slice %arg10[%mul3A_4, %dma_wait3A] : memref<10008x128xf32, #tpu.memory_space<vmem_shared>> -> memref<624x128xf32, #tpu.memory_space<vmem_shared>>
      %dma_wait3A_26 = arith.constant 0 : i32
      %dma_wait3A_27 = tpu.memref_slice %arg5[%mul3A_2, %dma_wait3A_26] : memref<10008x128xf32, #tpu.memory_space<hbm>> -> memref<624x128xf32, #tpu.memory_space<hbm>>
      tpu.wait_dma2 semaphore(%run_scoped3A : memref<!tpu.dma_semaphore, #tpu.memory_space<semaphore_mem>>) src(%dma_wait3A_27 : memref<624x128xf32, #tpu.memory_space<hbm>>) dst(%dma_wait3A_25 : memref<624x128xf32, #tpu.memory_space<vmem_shared>>)
      tpu.yield
    }) : () -> ()
    %eq3A = arith.constant 0 : i32
    %eq3A_5 = arith.cmpi eq, %arg1, %eq3A : i32
    %convert_element_type3A = arith.extui %eq3A_5 : i1 to i32
    %cond3A = arith.constant 0 : i32
    %cond3A_6 = arith.cmpi ne, %convert_element_type3A, %cond3A : i32
    scf.if %cond3A_6 {
      "tpu.region"() ({
        %run_scoped3A = tpu.sem_alloc : memref<!tpu.dma_semaphore, #tpu.memory_space<semaphore_mem>>
        %dma_start3A = arith.constant 9984 : i32
        %dma_start3A_22 = arith.constant 0 : i32
        %dma_start3A_23 = tpu.memref_slice %arg10[%dma_start3A, %dma_start3A_22] : memref<10008x128xf32, #tpu.memory_space<vmem_shared>> -> memref<24x128xf32, #tpu.memory_space<vmem_shared>>
        %dma_start3A_24 = arith.constant 9984 : i32
        %dma_start3A_25 = arith.constant 0 : i32
        %dma_start3A_26 = tpu.memref_slice %arg5[%dma_start3A_24, %dma_start3A_25] : memref<10008x128xf32, #tpu.memory_space<hbm>> -> memref<24x128xf32, #tpu.memory_space<hbm>>
        tpu.enqueue_dma source(%dma_start3A_26 : memref<24x128xf32, #tpu.memory_space<hbm>>) target(%dma_start3A_23 : memref<24x128xf32, #tpu.memory_space<vmem_shared>>) target_semaphore(%run_scoped3A : memref<!tpu.dma_semaphore, #tpu.memory_space<semaphore_mem>>)
        %dma_wait3A = arith.constant 9984 : i32
        %dma_wait3A_27 = arith.constant 0 : i32
        %dma_wait3A_28 = tpu.memref_slice %arg10[%dma_wait3A, %dma_wait3A_27] : memref<10008x128xf32, #tpu.memory_space<vmem_shared>> -> memref<24x128xf32, #tpu.memory_space<vmem_shared>>
        %dma_wait3A_29 = arith.constant 9984 : i32
        %dma_wait3A_30 = arith.constant 0 : i32
        %dma_wait3A_31 = tpu.memref_slice %arg5[%dma_wait3A_29, %dma_wait3A_30] : memref<10008x128xf32, #tpu.memory_space<hbm>> -> memref<24x128xf32, #tpu.memory_space<hbm>>
        tpu.wait_dma2 semaphore(%run_scoped3A : memref<!tpu.dma_semaphore, #tpu.memory_space<semaphore_mem>>) src(%dma_wait3A_31 : memref<24x128xf32, #tpu.memory_space<hbm>>) dst(%dma_wait3A_28 : memref<24x128xf32, #tpu.memory_space<vmem_shared>>)
        tpu.yield
      }) : () -> ()
    } else {
    }
    "tpu.region"() ({
      %run_scoped3A = tpu.sem_alloc : memref<!tpu.dma_semaphore, #tpu.memory_space<semaphore_mem>>
      %dma_start3A = arith.constant 0 : i32
      %dma_start3A_22 = arith.constant 0 : i32
      %dma_start3A_23 = tpu.memref_slice %arg3[%add3A, %dma_start3A, %dma_start3A_22] : memref<32x126x80xi32, #tpu.memory_space<hbm>> -> memref<1x126x80xi32, #tpu.memory_space<hbm>>
      %dma_start3A_24 = tpu.memref_squeeze %dma_start3A_23 : memref<1x126x80xi32, #tpu.memory_space<hbm>> -> memref<126x80xi32, #tpu.memory_space<hbm>>
      %dma_start3A_25 = arith.constant 0 : i32
      %dma_start3A_26 = arith.constant 0 : i32
      %dma_start3A_27 = tpu.memref_slice %arg3[%add3A, %dma_start3A_25, %dma_start3A_26] : memref<32x126x80xi32, #tpu.memory_space<hbm>> -> memref<1x126x80xi32, #tpu.memory_space<hbm>>
      %dma_start3A_28 = tpu.memref_squeeze %dma_start3A_27 : memref<1x126x80xi32, #tpu.memory_space<hbm>> -> memref<126x80xi32, #tpu.memory_space<hbm>>
      tpu.enqueue_dma source(%dma_start3A_28 : memref<126x80xi32, #tpu.memory_space<hbm>>) target(%arg7 : memref<126x80xi32, #tpu.memory_space<vmem>>) target_semaphore(%run_scoped3A : memref<!tpu.dma_semaphore, #tpu.memory_space<semaphore_mem>>)
      %dma_wait3A = arith.constant 0 : i32
      %dma_wait3A_29 = arith.constant 0 : i32
      %dma_wait3A_30 = tpu.memref_slice %arg3[%add3A, %dma_wait3A, %dma_wait3A_29] : memref<32x126x80xi32, #tpu.memory_space<hbm>> -> memref<1x126x80xi32, #tpu.memory_space<hbm>>
      %dma_wait3A_31 = tpu.memref_squeeze %dma_wait3A_30 : memref<1x126x80xi32, #tpu.memory_space<hbm>> -> memref<126x80xi32, #tpu.memory_space<hbm>>
      %dma_wait3A_32 = arith.constant 0 : i32
      %dma_wait3A_33 = arith.constant 0 : i32
      %dma_wait3A_34 = tpu.memref_slice %arg3[%add3A, %dma_wait3A_32, %dma_wait3A_33] : memref<32x126x80xi32, #tpu.memory_space<hbm>> -> memref<1x126x80xi32, #tpu.memory_space<hbm>>
      %dma_wait3A_35 = tpu.memref_squeeze %dma_wait3A_34 : memref<1x126x80xi32, #tpu.memory_space<hbm>> -> memref<126x80xi32, #tpu.memory_space<hbm>>
      tpu.wait_dma2 semaphore(%run_scoped3A : memref<!tpu.dma_semaphore, #tpu.memory_space<semaphore_mem>>) src(%dma_wait3A_35 : memref<126x80xi32, #tpu.memory_space<hbm>>) dst(%arg7 : memref<126x80xi32, #tpu.memory_space<vmem>>)
      tpu.yield
    }) : () -> ()
    "tpu.region"() ({
      %run_scoped3A = tpu.sem_alloc : memref<!tpu.dma_semaphore, #tpu.memory_space<semaphore_mem>>
      %dma_start3A = arith.constant 0 : i32
      %dma_start3A_22 = arith.constant 0 : i32
      %dma_start3A_23 = tpu.memref_slice %arg4[%add3A, %dma_start3A, %dma_start3A_22] : memref<32x126x80xi32, #tpu.memory_space<hbm>> -> memref<1x126x80xi32, #tpu.memory_space<hbm>>
      %dma_start3A_24 = tpu.memref_squeeze %dma_start3A_23 : memref<1x126x80xi32, #tpu.memory_space<hbm>> -> memref<126x80xi32, #tpu.memory_space<hbm>>
      %dma_start3A_25 = arith.constant 0 : i32
      %dma_start3A_26 = arith.constant 0 : i32
      %dma_start3A_27 = tpu.memref_slice %arg4[%add3A, %dma_start3A_25, %dma_start3A_26] : memref<32x126x80xi32, #tpu.memory_space<hbm>> -> memref<1x126x80xi32, #tpu.memory_space<hbm>>
      %dma_start3A_28 = tpu.memref_squeeze %dma_start3A_27 : memref<1x126x80xi32, #tpu.memory_space<hbm>> -> memref<126x80xi32, #tpu.memory_space<hbm>>
      tpu.enqueue_dma source(%dma_start3A_28 : memref<126x80xi32, #tpu.memory_space<hbm>>) target(%arg8 : memref<126x80xi32, #tpu.memory_space<vmem>>) target_semaphore(%run_scoped3A : memref<!tpu.dma_semaphore, #tpu.memory_space<semaphore_mem>>)
      %dma_wait3A = arith.constant 0 : i32
      %dma_wait3A_29 = arith.constant 0 : i32
      %dma_wait3A_30 = tpu.memref_slice %arg4[%add3A, %dma_wait3A, %dma_wait3A_29] : memref<32x126x80xi32, #tpu.memory_space<hbm>> -> memref<1x126x80xi32, #tpu.memory_space<hbm>>
      %dma_wait3A_31 = tpu.memref_squeeze %dma_wait3A_30 : memref<1x126x80xi32, #tpu.memory_space<hbm>> -> memref<126x80xi32, #tpu.memory_space<hbm>>
      %dma_wait3A_32 = arith.constant 0 : i32
      %dma_wait3A_33 = arith.constant 0 : i32
      %dma_wait3A_34 = tpu.memref_slice %arg4[%add3A, %dma_wait3A_32, %dma_wait3A_33] : memref<32x126x80xi32, #tpu.memory_space<hbm>> -> memref<1x126x80xi32, #tpu.memory_space<hbm>>
      %dma_wait3A_35 = tpu.memref_squeeze %dma_wait3A_34 : memref<1x126x80xi32, #tpu.memory_space<hbm>> -> memref<126x80xi32, #tpu.memory_space<hbm>>
      tpu.wait_dma2 semaphore(%run_scoped3A : memref<!tpu.dma_semaphore, #tpu.memory_space<semaphore_mem>>) src(%dma_wait3A_35 : memref<126x80xi32, #tpu.memory_space<hbm>>) dst(%arg8 : memref<126x80xi32, #tpu.memory_space<vmem>>)
      tpu.yield
    }) : () -> ()
    %barrier3A = arith.constant 0 : index
    tpu.barrier barrier_id(%barrier3A)
    %scan3A = arith.constant 0 : i32
    %scan3A_7 = arith.constant 0 : i32
    %scan3A_8 = arith.constant 126 : i32
    %scan3A_9 = arith.addi %scan3A_7, %scan3A_8 : i32
    %scan3A_10 = arith.constant 1 : i32
    scf.for %scan3A_22 = %scan3A_7 to %scan3A_9 step %scan3A_10  : i32 {
      %dma_start3A = arith.constant 0 : i32
      %dma_start3A_23 = tpu.memref_slice %arg7[%scan3A_22, %dma_start3A] : memref<126x80xi32, #tpu.memory_space<vmem>> -> memref<1x80xi32, #tpu.memory_space<vmem>>
      %dma_start3A_24 = tpu.memref_squeeze %dma_start3A_23 : memref<1x80xi32, #tpu.memory_space<vmem>> -> memref<80xi32, #tpu.memory_space<vmem>>
      %dma_start3A_25 = arith.constant 0 : i32
      %dma_start3A_26 = arith.constant 0 : i32
      %dma_start3A_27 = tpu.memref_slice %arg2[%dma_start3A_25, %dma_start3A_26] : memref<10000x128xf32, #tpu.memory_space<hbm>> -> memref<10000x128xf32, #tpu.memory_space<hbm>>
      tpu.enqueue_indirect_dma source(%dma_start3A_27 : memref<10000x128xf32, #tpu.memory_space<hbm>>) target(%arg9 : memref<80x128xf32, #tpu.memory_space<vmem>>) offsets(%dma_start3A_24 : memref<80xi32, #tpu.memory_space<vmem>>) semaphore(%arg11 : memref<!tpu.dma_semaphore, #tpu.memory_space<semaphore_mem>>)
      %dma_wait3A = arith.constant 0 : i32
      %dma_wait3A_28 = tpu.memref_slice %arg7[%scan3A_22, %dma_wait3A] : memref<126x80xi32, #tpu.memory_space<vmem>> -> memref<1x80xi32, #tpu.memory_space<vmem>>
      %dma_wait3A_29 = tpu.memref_squeeze %dma_wait3A_28 : memref<1x80xi32, #tpu.memory_space<vmem>> -> memref<80xi32, #tpu.memory_space<vmem>>
      %dma_wait3A_30 = arith.constant 0 : i32
      %dma_wait3A_31 = arith.constant 0 : i32
      %dma_wait3A_32 = tpu.memref_slice %arg2[%dma_wait3A_30, %dma_wait3A_31] : memref<10000x128xf32, #tpu.memory_space<hbm>> -> memref<10000x128xf32, #tpu.memory_space<hbm>>
      tpu.wait_indirect_dma semaphore(%arg11 : memref<!tpu.dma_semaphore, #tpu.memory_space<semaphore_mem>>) src(%dma_wait3A_32 : memref<10000x128xf32, #tpu.memory_space<hbm>>) dst(%arg9 : memref<80x128xf32, #tpu.memory_space<vmem>>)
      "tpu.region"() ({
        %run_scoped3A = tpu.sem_alloc : memref<!tpu.dma_semaphore, #tpu.memory_space<semaphore_mem>>
        %dma_start3A_33 = arith.constant 0 : i32
        %dma_start3A_34 = tpu.memref_slice %arg8[%scan3A_22, %dma_start3A_33] : memref<126x80xi32, #tpu.memory_space<vmem>> -> memref<1x80xi32, #tpu.memory_space<vmem>>
        %dma_start3A_35 = tpu.memref_squeeze %dma_start3A_34 : memref<1x80xi32, #tpu.memory_space<vmem>> -> memref<80xi32, #tpu.memory_space<vmem>>
        %dma_start3A_36 = arith.constant 0 : i32
        %dma_start3A_37 = arith.constant 0 : i32
        %dma_start3A_38 = tpu.memref_slice %arg10[%dma_start3A_36, %dma_start3A_37] : memref<10008x128xf32, #tpu.memory_space<vmem_shared>> -> memref<10008x128xf32, #tpu.memory_space<vmem_shared>>
        tpu.enqueue_indirect_dma source(%arg9 : memref<80x128xf32, #tpu.memory_space<vmem>>) target(%dma_start3A_38 : memref<10008x128xf32, #tpu.memory_space<vmem_shared>>) offsets(%dma_start3A_35 : memref<80xi32, #tpu.memory_space<vmem>>) semaphore(%run_scoped3A : memref<!tpu.dma_semaphore, #tpu.memory_space<semaphore_mem>>) {add = true}
        %dma_wait3A_39 = arith.constant 0 : i32
        %dma_wait3A_40 = tpu.memref_slice %arg8[%scan3A_22, %dma_wait3A_39] : memref<126x80xi32, #tpu.memory_space<vmem>> -> memref<1x80xi32, #tpu.memory_space<vmem>>
        %dma_wait3A_41 = tpu.memref_squeeze %dma_wait3A_40 : memref<1x80xi32, #tpu.memory_space<vmem>> -> memref<80xi32, #tpu.memory_space<vmem>>
        %dma_wait3A_42 = arith.constant 0 : i32
        %dma_wait3A_43 = arith.constant 0 : i32
        %dma_wait3A_44 = tpu.memref_slice %arg10[%dma_wait3A_42, %dma_wait3A_43] : memref<10008x128xf32, #tpu.memory_space<vmem_shared>> -> memref<10008x128xf32, #tpu.memory_space<vmem_shared>>
        tpu.wait_indirect_dma semaphore(%run_scoped3A : memref<!tpu.dma_semaphore, #tpu.memory_space<semaphore_mem>>) src(%arg9 : memref<80x128xf32, #tpu.memory_space<vmem>>) dst(%dma_wait3A_44 : memref<10008x128xf32, #tpu.memory_space<vmem_shared>>)
        tpu.yield
      }) : () -> ()
    }
    %scan3A_11 = arith.constant 126 : i32
    %barrier3A_12 = arith.constant 0 : index
    tpu.barrier barrier_id(%barrier3A_12)
    %mul3A_13 = arith.constant 624 : i32
    %mul3A_14 = arith.muli %arg1, %mul3A_13 : i32
    %mul3A_15 = arith.constant 624 : i32
    %mul3A_16 = arith.muli %arg1, %mul3A_15 : i32
    "tpu.region"() ({
      %run_scoped3A = tpu.sem_alloc : memref<!tpu.dma_semaphore, #tpu.memory_space<semaphore_mem>>
      %dma_start3A = arith.constant 0 : i32
      %dma_start3A_22 = tpu.memref_slice %arg6[%arg0, %mul3A_16, %dma_start3A] : memref<2x10000x128xf32, #tpu.memory_space<hbm>> -> memref<1x624x128xf32, #tpu.memory_space<hbm>>
      %dma_start3A_23 = tpu.memref_squeeze %dma_start3A_22 : memref<1x624x128xf32, #tpu.memory_space<hbm>> -> memref<624x128xf32, #tpu.memory_space<hbm>>
      %dma_start3A_24 = arith.constant 0 : i32
      %dma_start3A_25 = tpu.memref_slice %arg10[%mul3A_14, %dma_start3A_24] : memref<10008x128xf32, #tpu.memory_space<vmem_shared>> -> memref<624x128xf32, #tpu.memory_space<vmem_shared>>
      tpu.enqueue_dma source(%dma_start3A_25 : memref<624x128xf32, #tpu.memory_space<vmem_shared>>) target(%dma_start3A_23 : memref<624x128xf32, #tpu.memory_space<hbm>>) target_semaphore(%run_scoped3A : memref<!tpu.dma_semaphore, #tpu.memory_space<semaphore_mem>>)
      %dma_wait3A = arith.constant 0 : i32
      %dma_wait3A_26 = tpu.memref_slice %arg6[%arg0, %mul3A_16, %dma_wait3A] : memref<2x10000x128xf32, #tpu.memory_space<hbm>> -> memref<1x624x128xf32, #tpu.memory_space<hbm>>
      %dma_wait3A_27 = tpu.memref_squeeze %dma_wait3A_26 : memref<1x624x128xf32, #tpu.memory_space<hbm>> -> memref<624x128xf32, #tpu.memory_space<hbm>>
      %dma_wait3A_28 = arith.constant 0 : i32
      %dma_wait3A_29 = tpu.memref_slice %arg10[%mul3A_14, %dma_wait3A_28] : memref<10008x128xf32, #tpu.memory_space<vmem_shared>> -> memref<624x128xf32, #tpu.memory_space<vmem_shared>>
      tpu.wait_dma2 semaphore(%run_scoped3A : memref<!tpu.dma_semaphore, #tpu.memory_space<semaphore_mem>>) src(%dma_wait3A_29 : memref<624x128xf32, #tpu.memory_space<vmem_shared>>) dst(%dma_wait3A_27 : memref<624x128xf32, #tpu.memory_space<hbm>>)
      tpu.yield
    }) : () -> ()
    %eq3A_17 = arith.constant 0 : i32
    %eq3A_18 = arith.cmpi eq, %arg1, %eq3A_17 : i32
    %convert_element_type3A_19 = arith.extui %eq3A_18 : i1 to i32
    %cond3A_20 = arith.constant 0 : i32
    %cond3A_21 = arith.cmpi ne, %convert_element_type3A_19, %cond3A_20 : i32
    scf.if %cond3A_21 {
      "tpu.region"() ({
        %run_scoped3A = tpu.sem_alloc : memref<!tpu.dma_semaphore, #tpu.memory_space<semaphore_mem>>
        %dma_start3A = arith.constant 9984 : i32
        %dma_start3A_22 = arith.constant 0 : i32
        %dma_start3A_23 = tpu.memref_slice %arg6[%arg0, %dma_start3A, %dma_start3A_22] : memref<2x10000x128xf32, #tpu.memory_space<hbm>> -> memref<1x16x128xf32, #tpu.memory_space<hbm>>
        %dma_start3A_24 = tpu.memref_squeeze %dma_start3A_23 : memref<1x16x128xf32, #tpu.memory_space<hbm>> -> memref<16x128xf32, #tpu.memory_space<hbm>>
        %dma_start3A_25 = arith.constant 9984 : i32
        %dma_start3A_26 = arith.constant 0 : i32
        %dma_start3A_27 = tpu.memref_slice %arg10[%dma_start3A_25, %dma_start3A_26] : memref<10008x128xf32, #tpu.memory_space<vmem_shared>> -> memref<16x128xf32, #tpu.memory_space<vmem_shared>>
        tpu.enqueue_dma source(%dma_start3A_27 : memref<16x128xf32, #tpu.memory_space<vmem_shared>>) target(%dma_start3A_24 : memref<16x128xf32, #tpu.memory_space<hbm>>) target_semaphore(%run_scoped3A : memref<!tpu.dma_semaphore, #tpu.memory_space<semaphore_mem>>)
        %dma_wait3A = arith.constant 9984 : i32
        %dma_wait3A_28 = arith.constant 0 : i32
        %dma_wait3A_29 = tpu.memref_slice %arg6[%arg0, %dma_wait3A, %dma_wait3A_28] : memref<2x10000x128xf32, #tpu.memory_space<hbm>> -> memref<1x16x128xf32, #tpu.memory_space<hbm>>
        %dma_wait3A_30 = tpu.memref_squeeze %dma_wait3A_29 : memref<1x16x128xf32, #tpu.memory_space<hbm>> -> memref<16x128xf32, #tpu.memory_space<hbm>>
        %dma_wait3A_31 = arith.constant 9984 : i32
        %dma_wait3A_32 = arith.constant 0 : i32
        %dma_wait3A_33 = tpu.memref_slice %arg10[%dma_wait3A_31, %dma_wait3A_32] : memref<10008x128xf32, #tpu.memory_space<vmem_shared>> -> memref<16x128xf32, #tpu.memory_space<vmem_shared>>
        tpu.wait_dma2 semaphore(%run_scoped3A : memref<!tpu.dma_semaphore, #tpu.memory_space<semaphore_mem>>) src(%dma_wait3A_33 : memref<16x128xf32, #tpu.memory_space<vmem_shared>>) dst(%dma_wait3A_30 : memref<16x128xf32, #tpu.memory_space<hbm>>)
        tpu.yield
      }) : () -> ()
    } else {
    }
    return
  }
}

#map = affine_map<(d0, d1) -> (0, 0)>
#map1 = affine_map<(d0, d1) -> (0, 0, 0)>
module attributes {stable_mosaic.version = 14 : i64} {
  func.func @_sc_segsum(%arg0: i32, %arg1: i32, %arg2: memref<10000x64xf32, #tpu.memory_space<hbm>>, %arg3: memref<32x128x80xi32, #tpu.memory_space<hbm>>, %arg4: memref<32x128x80xi32, #tpu.memory_space<hbm>>, %arg5: memref<10008x64xf32, #tpu.memory_space<hbm>>, %arg6: memref<2x10000x64xf32, #tpu.memory_space<hbm>>, %arg7: memref<128x80xi32, #tpu.memory_space<vmem>>, %arg8: memref<128x80xi32, #tpu.memory_space<vmem>>, %arg9: memref<80x64xf32, #tpu.memory_space<vmem>>, %arg10: memref<10008x64xf32, #tpu.memory_space<vmem_shared>>, %arg11: memref<!tpu.dma_semaphore, #tpu.memory_space<semaphore_mem>>) attributes {dimension_semantics = [#tpu.dimension_semantics<core_parallel>, #tpu.dimension_semantics<subcore_parallel>], iteration_bounds = array<i64: 2, 16>, scalar_prefetch = 0 : i64, scratch_operands = 5 : i64, tpu.core_type = #tpu.core_type<sc_vector_subcore>, window_params = [{transform_indices = #map}, {transform_indices = #map1}, {transform_indices = #map1}, {transform_indices = #map}, {transform_indices = #map1}]} {
    %mul3A = arith.constant 16 : i32
    %mul3A_0 = arith.muli %arg0, %mul3A : i32
    %add3A = arith.addi %mul3A_0, %arg1 : i32
    %mul3A_1 = arith.constant 624 : i32
    %mul3A_2 = arith.muli %arg1, %mul3A_1 : i32
    %mul3A_3 = arith.constant 624 : i32
    %mul3A_4 = arith.muli %arg1, %mul3A_3 : i32
    "tpu.region"() ({
      %run_scoped3A = tpu.sem_alloc : memref<!tpu.dma_semaphore, #tpu.memory_space<semaphore_mem>>
      %dma_start3A = arith.constant 0 : i32
      %dma_start3A_22 = tpu.memref_slice %arg10[%mul3A_4, %dma_start3A] : memref<10008x64xf32, #tpu.memory_space<vmem_shared>> -> memref<624x64xf32, #tpu.memory_space<vmem_shared>>
      %dma_start3A_23 = arith.constant 0 : i32
      %dma_start3A_24 = tpu.memref_slice %arg5[%mul3A_2, %dma_start3A_23] : memref<10008x64xf32, #tpu.memory_space<hbm>> -> memref<624x64xf32, #tpu.memory_space<hbm>>
      tpu.enqueue_dma source(%dma_start3A_24 : memref<624x64xf32, #tpu.memory_space<hbm>>) target(%dma_start3A_22 : memref<624x64xf32, #tpu.memory_space<vmem_shared>>) target_semaphore(%run_scoped3A : memref<!tpu.dma_semaphore, #tpu.memory_space<semaphore_mem>>)
      %dma_wait3A = arith.constant 0 : i32
      %dma_wait3A_25 = tpu.memref_slice %arg10[%mul3A_4, %dma_wait3A] : memref<10008x64xf32, #tpu.memory_space<vmem_shared>> -> memref<624x64xf32, #tpu.memory_space<vmem_shared>>
      %dma_wait3A_26 = arith.constant 0 : i32
      %dma_wait3A_27 = tpu.memref_slice %arg5[%mul3A_2, %dma_wait3A_26] : memref<10008x64xf32, #tpu.memory_space<hbm>> -> memref<624x64xf32, #tpu.memory_space<hbm>>
      tpu.wait_dma2 semaphore(%run_scoped3A : memref<!tpu.dma_semaphore, #tpu.memory_space<semaphore_mem>>) src(%dma_wait3A_27 : memref<624x64xf32, #tpu.memory_space<hbm>>) dst(%dma_wait3A_25 : memref<624x64xf32, #tpu.memory_space<vmem_shared>>)
      tpu.yield
    }) : () -> ()
    %eq3A = arith.constant 0 : i32
    %eq3A_5 = arith.cmpi eq, %arg1, %eq3A : i32
    %convert_element_type3A = arith.extui %eq3A_5 : i1 to i32
    %cond3A = arith.constant 0 : i32
    %cond3A_6 = arith.cmpi ne, %convert_element_type3A, %cond3A : i32
    scf.if %cond3A_6 {
      "tpu.region"() ({
        %run_scoped3A = tpu.sem_alloc : memref<!tpu.dma_semaphore, #tpu.memory_space<semaphore_mem>>
        %dma_start3A = arith.constant 9984 : i32
        %dma_start3A_22 = arith.constant 0 : i32
        %dma_start3A_23 = tpu.memref_slice %arg10[%dma_start3A, %dma_start3A_22] : memref<10008x64xf32, #tpu.memory_space<vmem_shared>> -> memref<24x64xf32, #tpu.memory_space<vmem_shared>>
        %dma_start3A_24 = arith.constant 9984 : i32
        %dma_start3A_25 = arith.constant 0 : i32
        %dma_start3A_26 = tpu.memref_slice %arg5[%dma_start3A_24, %dma_start3A_25] : memref<10008x64xf32, #tpu.memory_space<hbm>> -> memref<24x64xf32, #tpu.memory_space<hbm>>
        tpu.enqueue_dma source(%dma_start3A_26 : memref<24x64xf32, #tpu.memory_space<hbm>>) target(%dma_start3A_23 : memref<24x64xf32, #tpu.memory_space<vmem_shared>>) target_semaphore(%run_scoped3A : memref<!tpu.dma_semaphore, #tpu.memory_space<semaphore_mem>>)
        %dma_wait3A = arith.constant 9984 : i32
        %dma_wait3A_27 = arith.constant 0 : i32
        %dma_wait3A_28 = tpu.memref_slice %arg10[%dma_wait3A, %dma_wait3A_27] : memref<10008x64xf32, #tpu.memory_space<vmem_shared>> -> memref<24x64xf32, #tpu.memory_space<vmem_shared>>
        %dma_wait3A_29 = arith.constant 9984 : i32
        %dma_wait3A_30 = arith.constant 0 : i32
        %dma_wait3A_31 = tpu.memref_slice %arg5[%dma_wait3A_29, %dma_wait3A_30] : memref<10008x64xf32, #tpu.memory_space<hbm>> -> memref<24x64xf32, #tpu.memory_space<hbm>>
        tpu.wait_dma2 semaphore(%run_scoped3A : memref<!tpu.dma_semaphore, #tpu.memory_space<semaphore_mem>>) src(%dma_wait3A_31 : memref<24x64xf32, #tpu.memory_space<hbm>>) dst(%dma_wait3A_28 : memref<24x64xf32, #tpu.memory_space<vmem_shared>>)
        tpu.yield
      }) : () -> ()
    } else {
    }
    "tpu.region"() ({
      %run_scoped3A = tpu.sem_alloc : memref<!tpu.dma_semaphore, #tpu.memory_space<semaphore_mem>>
      %dma_start3A = arith.constant 0 : i32
      %dma_start3A_22 = arith.constant 0 : i32
      %dma_start3A_23 = tpu.memref_slice %arg3[%add3A, %dma_start3A, %dma_start3A_22] : memref<32x128x80xi32, #tpu.memory_space<hbm>> -> memref<1x128x80xi32, #tpu.memory_space<hbm>>
      %dma_start3A_24 = tpu.memref_squeeze %dma_start3A_23 : memref<1x128x80xi32, #tpu.memory_space<hbm>> -> memref<128x80xi32, #tpu.memory_space<hbm>>
      %dma_start3A_25 = arith.constant 0 : i32
      %dma_start3A_26 = arith.constant 0 : i32
      %dma_start3A_27 = tpu.memref_slice %arg3[%add3A, %dma_start3A_25, %dma_start3A_26] : memref<32x128x80xi32, #tpu.memory_space<hbm>> -> memref<1x128x80xi32, #tpu.memory_space<hbm>>
      %dma_start3A_28 = tpu.memref_squeeze %dma_start3A_27 : memref<1x128x80xi32, #tpu.memory_space<hbm>> -> memref<128x80xi32, #tpu.memory_space<hbm>>
      tpu.enqueue_dma source(%dma_start3A_28 : memref<128x80xi32, #tpu.memory_space<hbm>>) target(%arg7 : memref<128x80xi32, #tpu.memory_space<vmem>>) target_semaphore(%run_scoped3A : memref<!tpu.dma_semaphore, #tpu.memory_space<semaphore_mem>>)
      %dma_wait3A = arith.constant 0 : i32
      %dma_wait3A_29 = arith.constant 0 : i32
      %dma_wait3A_30 = tpu.memref_slice %arg3[%add3A, %dma_wait3A, %dma_wait3A_29] : memref<32x128x80xi32, #tpu.memory_space<hbm>> -> memref<1x128x80xi32, #tpu.memory_space<hbm>>
      %dma_wait3A_31 = tpu.memref_squeeze %dma_wait3A_30 : memref<1x128x80xi32, #tpu.memory_space<hbm>> -> memref<128x80xi32, #tpu.memory_space<hbm>>
      %dma_wait3A_32 = arith.constant 0 : i32
      %dma_wait3A_33 = arith.constant 0 : i32
      %dma_wait3A_34 = tpu.memref_slice %arg3[%add3A, %dma_wait3A_32, %dma_wait3A_33] : memref<32x128x80xi32, #tpu.memory_space<hbm>> -> memref<1x128x80xi32, #tpu.memory_space<hbm>>
      %dma_wait3A_35 = tpu.memref_squeeze %dma_wait3A_34 : memref<1x128x80xi32, #tpu.memory_space<hbm>> -> memref<128x80xi32, #tpu.memory_space<hbm>>
      tpu.wait_dma2 semaphore(%run_scoped3A : memref<!tpu.dma_semaphore, #tpu.memory_space<semaphore_mem>>) src(%dma_wait3A_35 : memref<128x80xi32, #tpu.memory_space<hbm>>) dst(%arg7 : memref<128x80xi32, #tpu.memory_space<vmem>>)
      tpu.yield
    }) : () -> ()
    "tpu.region"() ({
      %run_scoped3A = tpu.sem_alloc : memref<!tpu.dma_semaphore, #tpu.memory_space<semaphore_mem>>
      %dma_start3A = arith.constant 0 : i32
      %dma_start3A_22 = arith.constant 0 : i32
      %dma_start3A_23 = tpu.memref_slice %arg4[%add3A, %dma_start3A, %dma_start3A_22] : memref<32x128x80xi32, #tpu.memory_space<hbm>> -> memref<1x128x80xi32, #tpu.memory_space<hbm>>
      %dma_start3A_24 = tpu.memref_squeeze %dma_start3A_23 : memref<1x128x80xi32, #tpu.memory_space<hbm>> -> memref<128x80xi32, #tpu.memory_space<hbm>>
      %dma_start3A_25 = arith.constant 0 : i32
      %dma_start3A_26 = arith.constant 0 : i32
      %dma_start3A_27 = tpu.memref_slice %arg4[%add3A, %dma_start3A_25, %dma_start3A_26] : memref<32x128x80xi32, #tpu.memory_space<hbm>> -> memref<1x128x80xi32, #tpu.memory_space<hbm>>
      %dma_start3A_28 = tpu.memref_squeeze %dma_start3A_27 : memref<1x128x80xi32, #tpu.memory_space<hbm>> -> memref<128x80xi32, #tpu.memory_space<hbm>>
      tpu.enqueue_dma source(%dma_start3A_28 : memref<128x80xi32, #tpu.memory_space<hbm>>) target(%arg8 : memref<128x80xi32, #tpu.memory_space<vmem>>) target_semaphore(%run_scoped3A : memref<!tpu.dma_semaphore, #tpu.memory_space<semaphore_mem>>)
      %dma_wait3A = arith.constant 0 : i32
      %dma_wait3A_29 = arith.constant 0 : i32
      %dma_wait3A_30 = tpu.memref_slice %arg4[%add3A, %dma_wait3A, %dma_wait3A_29] : memref<32x128x80xi32, #tpu.memory_space<hbm>> -> memref<1x128x80xi32, #tpu.memory_space<hbm>>
      %dma_wait3A_31 = tpu.memref_squeeze %dma_wait3A_30 : memref<1x128x80xi32, #tpu.memory_space<hbm>> -> memref<128x80xi32, #tpu.memory_space<hbm>>
      %dma_wait3A_32 = arith.constant 0 : i32
      %dma_wait3A_33 = arith.constant 0 : i32
      %dma_wait3A_34 = tpu.memref_slice %arg4[%add3A, %dma_wait3A_32, %dma_wait3A_33] : memref<32x128x80xi32, #tpu.memory_space<hbm>> -> memref<1x128x80xi32, #tpu.memory_space<hbm>>
      %dma_wait3A_35 = tpu.memref_squeeze %dma_wait3A_34 : memref<1x128x80xi32, #tpu.memory_space<hbm>> -> memref<128x80xi32, #tpu.memory_space<hbm>>
      tpu.wait_dma2 semaphore(%run_scoped3A : memref<!tpu.dma_semaphore, #tpu.memory_space<semaphore_mem>>) src(%dma_wait3A_35 : memref<128x80xi32, #tpu.memory_space<hbm>>) dst(%arg8 : memref<128x80xi32, #tpu.memory_space<vmem>>)
      tpu.yield
    }) : () -> ()
    %barrier3A = arith.constant 0 : index
    tpu.barrier barrier_id(%barrier3A)
    %scan3A = arith.constant 0 : i32
    %scan3A_7 = arith.constant 0 : i32
    %scan3A_8 = arith.constant 128 : i32
    %scan3A_9 = arith.addi %scan3A_7, %scan3A_8 : i32
    %scan3A_10 = arith.constant 1 : i32
    scf.for %scan3A_22 = %scan3A_7 to %scan3A_9 step %scan3A_10  : i32 {
      %dma_start3A = arith.constant 0 : i32
      %dma_start3A_23 = tpu.memref_slice %arg7[%scan3A_22, %dma_start3A] : memref<128x80xi32, #tpu.memory_space<vmem>> -> memref<1x80xi32, #tpu.memory_space<vmem>>
      %dma_start3A_24 = tpu.memref_squeeze %dma_start3A_23 : memref<1x80xi32, #tpu.memory_space<vmem>> -> memref<80xi32, #tpu.memory_space<vmem>>
      %dma_start3A_25 = arith.constant 0 : i32
      %dma_start3A_26 = arith.constant 0 : i32
      %dma_start3A_27 = tpu.memref_slice %arg2[%dma_start3A_25, %dma_start3A_26] : memref<10000x64xf32, #tpu.memory_space<hbm>> -> memref<10000x64xf32, #tpu.memory_space<hbm>>
      tpu.enqueue_indirect_dma source(%dma_start3A_27 : memref<10000x64xf32, #tpu.memory_space<hbm>>) target(%arg9 : memref<80x64xf32, #tpu.memory_space<vmem>>) offsets(%dma_start3A_24 : memref<80xi32, #tpu.memory_space<vmem>>) semaphore(%arg11 : memref<!tpu.dma_semaphore, #tpu.memory_space<semaphore_mem>>)
      %dma_wait3A = arith.constant 0 : i32
      %dma_wait3A_28 = tpu.memref_slice %arg7[%scan3A_22, %dma_wait3A] : memref<128x80xi32, #tpu.memory_space<vmem>> -> memref<1x80xi32, #tpu.memory_space<vmem>>
      %dma_wait3A_29 = tpu.memref_squeeze %dma_wait3A_28 : memref<1x80xi32, #tpu.memory_space<vmem>> -> memref<80xi32, #tpu.memory_space<vmem>>
      %dma_wait3A_30 = arith.constant 0 : i32
      %dma_wait3A_31 = arith.constant 0 : i32
      %dma_wait3A_32 = tpu.memref_slice %arg2[%dma_wait3A_30, %dma_wait3A_31] : memref<10000x64xf32, #tpu.memory_space<hbm>> -> memref<10000x64xf32, #tpu.memory_space<hbm>>
      tpu.wait_indirect_dma semaphore(%arg11 : memref<!tpu.dma_semaphore, #tpu.memory_space<semaphore_mem>>) src(%dma_wait3A_32 : memref<10000x64xf32, #tpu.memory_space<hbm>>) dst(%arg9 : memref<80x64xf32, #tpu.memory_space<vmem>>)
      "tpu.region"() ({
        %run_scoped3A = tpu.sem_alloc : memref<!tpu.dma_semaphore, #tpu.memory_space<semaphore_mem>>
        %dma_start3A_33 = arith.constant 0 : i32
        %dma_start3A_34 = tpu.memref_slice %arg8[%scan3A_22, %dma_start3A_33] : memref<128x80xi32, #tpu.memory_space<vmem>> -> memref<1x80xi32, #tpu.memory_space<vmem>>
        %dma_start3A_35 = tpu.memref_squeeze %dma_start3A_34 : memref<1x80xi32, #tpu.memory_space<vmem>> -> memref<80xi32, #tpu.memory_space<vmem>>
        %dma_start3A_36 = arith.constant 0 : i32
        %dma_start3A_37 = arith.constant 0 : i32
        %dma_start3A_38 = tpu.memref_slice %arg10[%dma_start3A_36, %dma_start3A_37] : memref<10008x64xf32, #tpu.memory_space<vmem_shared>> -> memref<10008x64xf32, #tpu.memory_space<vmem_shared>>
        tpu.enqueue_indirect_dma source(%arg9 : memref<80x64xf32, #tpu.memory_space<vmem>>) target(%dma_start3A_38 : memref<10008x64xf32, #tpu.memory_space<vmem_shared>>) offsets(%dma_start3A_35 : memref<80xi32, #tpu.memory_space<vmem>>) semaphore(%run_scoped3A : memref<!tpu.dma_semaphore, #tpu.memory_space<semaphore_mem>>) {add = true}
        %dma_wait3A_39 = arith.constant 0 : i32
        %dma_wait3A_40 = tpu.memref_slice %arg8[%scan3A_22, %dma_wait3A_39] : memref<128x80xi32, #tpu.memory_space<vmem>> -> memref<1x80xi32, #tpu.memory_space<vmem>>
        %dma_wait3A_41 = tpu.memref_squeeze %dma_wait3A_40 : memref<1x80xi32, #tpu.memory_space<vmem>> -> memref<80xi32, #tpu.memory_space<vmem>>
        %dma_wait3A_42 = arith.constant 0 : i32
        %dma_wait3A_43 = arith.constant 0 : i32
        %dma_wait3A_44 = tpu.memref_slice %arg10[%dma_wait3A_42, %dma_wait3A_43] : memref<10008x64xf32, #tpu.memory_space<vmem_shared>> -> memref<10008x64xf32, #tpu.memory_space<vmem_shared>>
        tpu.wait_indirect_dma semaphore(%run_scoped3A : memref<!tpu.dma_semaphore, #tpu.memory_space<semaphore_mem>>) src(%arg9 : memref<80x64xf32, #tpu.memory_space<vmem>>) dst(%dma_wait3A_44 : memref<10008x64xf32, #tpu.memory_space<vmem_shared>>)
        tpu.yield
      }) : () -> ()
    }
    %scan3A_11 = arith.constant 128 : i32
    %barrier3A_12 = arith.constant 0 : index
    tpu.barrier barrier_id(%barrier3A_12)
    %mul3A_13 = arith.constant 624 : i32
    %mul3A_14 = arith.muli %arg1, %mul3A_13 : i32
    %mul3A_15 = arith.constant 624 : i32
    %mul3A_16 = arith.muli %arg1, %mul3A_15 : i32
    "tpu.region"() ({
      %run_scoped3A = tpu.sem_alloc : memref<!tpu.dma_semaphore, #tpu.memory_space<semaphore_mem>>
      %dma_start3A = arith.constant 0 : i32
      %dma_start3A_22 = tpu.memref_slice %arg6[%arg0, %mul3A_16, %dma_start3A] : memref<2x10000x64xf32, #tpu.memory_space<hbm>> -> memref<1x624x64xf32, #tpu.memory_space<hbm>>
      %dma_start3A_23 = tpu.memref_squeeze %dma_start3A_22 : memref<1x624x64xf32, #tpu.memory_space<hbm>> -> memref<624x64xf32, #tpu.memory_space<hbm>>
      %dma_start3A_24 = arith.constant 0 : i32
      %dma_start3A_25 = tpu.memref_slice %arg10[%mul3A_14, %dma_start3A_24] : memref<10008x64xf32, #tpu.memory_space<vmem_shared>> -> memref<624x64xf32, #tpu.memory_space<vmem_shared>>
      tpu.enqueue_dma source(%dma_start3A_25 : memref<624x64xf32, #tpu.memory_space<vmem_shared>>) target(%dma_start3A_23 : memref<624x64xf32, #tpu.memory_space<hbm>>) target_semaphore(%run_scoped3A : memref<!tpu.dma_semaphore, #tpu.memory_space<semaphore_mem>>)
      %dma_wait3A = arith.constant 0 : i32
      %dma_wait3A_26 = tpu.memref_slice %arg6[%arg0, %mul3A_16, %dma_wait3A] : memref<2x10000x64xf32, #tpu.memory_space<hbm>> -> memref<1x624x64xf32, #tpu.memory_space<hbm>>
      %dma_wait3A_27 = tpu.memref_squeeze %dma_wait3A_26 : memref<1x624x64xf32, #tpu.memory_space<hbm>> -> memref<624x64xf32, #tpu.memory_space<hbm>>
      %dma_wait3A_28 = arith.constant 0 : i32
      %dma_wait3A_29 = tpu.memref_slice %arg10[%mul3A_14, %dma_wait3A_28] : memref<10008x64xf32, #tpu.memory_space<vmem_shared>> -> memref<624x64xf32, #tpu.memory_space<vmem_shared>>
      tpu.wait_dma2 semaphore(%run_scoped3A : memref<!tpu.dma_semaphore, #tpu.memory_space<semaphore_mem>>) src(%dma_wait3A_29 : memref<624x64xf32, #tpu.memory_space<vmem_shared>>) dst(%dma_wait3A_27 : memref<624x64xf32, #tpu.memory_space<hbm>>)
      tpu.yield
    }) : () -> ()
    %eq3A_17 = arith.constant 0 : i32
    %eq3A_18 = arith.cmpi eq, %arg1, %eq3A_17 : i32
    %convert_element_type3A_19 = arith.extui %eq3A_18 : i1 to i32
    %cond3A_20 = arith.constant 0 : i32
    %cond3A_21 = arith.cmpi ne, %convert_element_type3A_19, %cond3A_20 : i32
    scf.if %cond3A_21 {
      "tpu.region"() ({
        %run_scoped3A = tpu.sem_alloc : memref<!tpu.dma_semaphore, #tpu.memory_space<semaphore_mem>>
        %dma_start3A = arith.constant 9984 : i32
        %dma_start3A_22 = arith.constant 0 : i32
        %dma_start3A_23 = tpu.memref_slice %arg6[%arg0, %dma_start3A, %dma_start3A_22] : memref<2x10000x64xf32, #tpu.memory_space<hbm>> -> memref<1x16x64xf32, #tpu.memory_space<hbm>>
        %dma_start3A_24 = tpu.memref_squeeze %dma_start3A_23 : memref<1x16x64xf32, #tpu.memory_space<hbm>> -> memref<16x64xf32, #tpu.memory_space<hbm>>
        %dma_start3A_25 = arith.constant 9984 : i32
        %dma_start3A_26 = arith.constant 0 : i32
        %dma_start3A_27 = tpu.memref_slice %arg10[%dma_start3A_25, %dma_start3A_26] : memref<10008x64xf32, #tpu.memory_space<vmem_shared>> -> memref<16x64xf32, #tpu.memory_space<vmem_shared>>
        tpu.enqueue_dma source(%dma_start3A_27 : memref<16x64xf32, #tpu.memory_space<vmem_shared>>) target(%dma_start3A_24 : memref<16x64xf32, #tpu.memory_space<hbm>>) target_semaphore(%run_scoped3A : memref<!tpu.dma_semaphore, #tpu.memory_space<semaphore_mem>>)
        %dma_wait3A = arith.constant 9984 : i32
        %dma_wait3A_28 = arith.constant 0 : i32
        %dma_wait3A_29 = tpu.memref_slice %arg6[%arg0, %dma_wait3A, %dma_wait3A_28] : memref<2x10000x64xf32, #tpu.memory_space<hbm>> -> memref<1x16x64xf32, #tpu.memory_space<hbm>>
        %dma_wait3A_30 = tpu.memref_squeeze %dma_wait3A_29 : memref<1x16x64xf32, #tpu.memory_space<hbm>> -> memref<16x64xf32, #tpu.memory_space<hbm>>
        %dma_wait3A_31 = arith.constant 9984 : i32
        %dma_wait3A_32 = arith.constant 0 : i32
        %dma_wait3A_33 = tpu.memref_slice %arg10[%dma_wait3A_31, %dma_wait3A_32] : memref<10008x64xf32, #tpu.memory_space<vmem_shared>> -> memref<16x64xf32, #tpu.memory_space<vmem_shared>>
        tpu.wait_dma2 semaphore(%run_scoped3A : memref<!tpu.dma_semaphore, #tpu.memory_space<semaphore_mem>>) src(%dma_wait3A_33 : memref<16x64xf32, #tpu.memory_space<vmem_shared>>) dst(%dma_wait3A_30 : memref<16x64xf32, #tpu.memory_space<hbm>>)
        tpu.yield
      }) : () -> ()
    } else {
    }
    return
  }
}

#map = affine_map<(d0, d1) -> (0, 0)>
#map1 = affine_map<(d0, d1) -> (0, 0, 0)>
module attributes {stable_mosaic.version = 14 : i64} {
  func.func @_sc_segsum(%arg0: i32, %arg1: i32, %arg2: memref<10000x64xf32, #tpu.memory_space<hbm>>, %arg3: memref<32x128x80xi32, #tpu.memory_space<hbm>>, %arg4: memref<32x128x80xi32, #tpu.memory_space<hbm>>, %arg5: memref<10008x64xf32, #tpu.memory_space<hbm>>, %arg6: memref<2x10000x64xf32, #tpu.memory_space<hbm>>, %arg7: memref<128x80xi32, #tpu.memory_space<vmem>>, %arg8: memref<128x80xi32, #tpu.memory_space<vmem>>, %arg9: memref<80x64xf32, #tpu.memory_space<vmem>>, %arg10: memref<10008x64xf32, #tpu.memory_space<vmem_shared>>, %arg11: memref<!tpu.dma_semaphore, #tpu.memory_space<semaphore_mem>>) attributes {dimension_semantics = [#tpu.dimension_semantics<core_parallel>, #tpu.dimension_semantics<subcore_parallel>], iteration_bounds = array<i64: 2, 16>, scalar_prefetch = 0 : i64, scratch_operands = 5 : i64, tpu.core_type = #tpu.core_type<sc_vector_subcore>, window_params = [{transform_indices = #map}, {transform_indices = #map1}, {transform_indices = #map1}, {transform_indices = #map}, {transform_indices = #map1}]} {
    %mul3A = arith.constant 16 : i32
    %mul3A_0 = arith.muli %arg0, %mul3A : i32
    %add3A = arith.addi %mul3A_0, %arg1 : i32
    %mul3A_1 = arith.constant 624 : i32
    %mul3A_2 = arith.muli %arg1, %mul3A_1 : i32
    %mul3A_3 = arith.constant 624 : i32
    %mul3A_4 = arith.muli %arg1, %mul3A_3 : i32
    "tpu.region"() ({
      %run_scoped3A = tpu.sem_alloc : memref<!tpu.dma_semaphore, #tpu.memory_space<semaphore_mem>>
      %dma_start3A = arith.constant 0 : i32
      %dma_start3A_22 = tpu.memref_slice %arg10[%mul3A_4, %dma_start3A] : memref<10008x64xf32, #tpu.memory_space<vmem_shared>> -> memref<624x64xf32, #tpu.memory_space<vmem_shared>>
      %dma_start3A_23 = arith.constant 0 : i32
      %dma_start3A_24 = tpu.memref_slice %arg5[%mul3A_2, %dma_start3A_23] : memref<10008x64xf32, #tpu.memory_space<hbm>> -> memref<624x64xf32, #tpu.memory_space<hbm>>
      tpu.enqueue_dma source(%dma_start3A_24 : memref<624x64xf32, #tpu.memory_space<hbm>>) target(%dma_start3A_22 : memref<624x64xf32, #tpu.memory_space<vmem_shared>>) target_semaphore(%run_scoped3A : memref<!tpu.dma_semaphore, #tpu.memory_space<semaphore_mem>>)
      %dma_wait3A = arith.constant 0 : i32
      %dma_wait3A_25 = tpu.memref_slice %arg10[%mul3A_4, %dma_wait3A] : memref<10008x64xf32, #tpu.memory_space<vmem_shared>> -> memref<624x64xf32, #tpu.memory_space<vmem_shared>>
      %dma_wait3A_26 = arith.constant 0 : i32
      %dma_wait3A_27 = tpu.memref_slice %arg5[%mul3A_2, %dma_wait3A_26] : memref<10008x64xf32, #tpu.memory_space<hbm>> -> memref<624x64xf32, #tpu.memory_space<hbm>>
      tpu.wait_dma2 semaphore(%run_scoped3A : memref<!tpu.dma_semaphore, #tpu.memory_space<semaphore_mem>>) src(%dma_wait3A_27 : memref<624x64xf32, #tpu.memory_space<hbm>>) dst(%dma_wait3A_25 : memref<624x64xf32, #tpu.memory_space<vmem_shared>>)
      tpu.yield
    }) : () -> ()
    %eq3A = arith.constant 0 : i32
    %eq3A_5 = arith.cmpi eq, %arg1, %eq3A : i32
    %convert_element_type3A = arith.extui %eq3A_5 : i1 to i32
    %cond3A = arith.constant 0 : i32
    %cond3A_6 = arith.cmpi ne, %convert_element_type3A, %cond3A : i32
    scf.if %cond3A_6 {
      "tpu.region"() ({
        %run_scoped3A = tpu.sem_alloc : memref<!tpu.dma_semaphore, #tpu.memory_space<semaphore_mem>>
        %dma_start3A = arith.constant 9984 : i32
        %dma_start3A_22 = arith.constant 0 : i32
        %dma_start3A_23 = tpu.memref_slice %arg10[%dma_start3A, %dma_start3A_22] : memref<10008x64xf32, #tpu.memory_space<vmem_shared>> -> memref<24x64xf32, #tpu.memory_space<vmem_shared>>
        %dma_start3A_24 = arith.constant 9984 : i32
        %dma_start3A_25 = arith.constant 0 : i32
        %dma_start3A_26 = tpu.memref_slice %arg5[%dma_start3A_24, %dma_start3A_25] : memref<10008x64xf32, #tpu.memory_space<hbm>> -> memref<24x64xf32, #tpu.memory_space<hbm>>
        tpu.enqueue_dma source(%dma_start3A_26 : memref<24x64xf32, #tpu.memory_space<hbm>>) target(%dma_start3A_23 : memref<24x64xf32, #tpu.memory_space<vmem_shared>>) target_semaphore(%run_scoped3A : memref<!tpu.dma_semaphore, #tpu.memory_space<semaphore_mem>>)
        %dma_wait3A = arith.constant 9984 : i32
        %dma_wait3A_27 = arith.constant 0 : i32
        %dma_wait3A_28 = tpu.memref_slice %arg10[%dma_wait3A, %dma_wait3A_27] : memref<10008x64xf32, #tpu.memory_space<vmem_shared>> -> memref<24x64xf32, #tpu.memory_space<vmem_shared>>
        %dma_wait3A_29 = arith.constant 9984 : i32
        %dma_wait3A_30 = arith.constant 0 : i32
        %dma_wait3A_31 = tpu.memref_slice %arg5[%dma_wait3A_29, %dma_wait3A_30] : memref<10008x64xf32, #tpu.memory_space<hbm>> -> memref<24x64xf32, #tpu.memory_space<hbm>>
        tpu.wait_dma2 semaphore(%run_scoped3A : memref<!tpu.dma_semaphore, #tpu.memory_space<semaphore_mem>>) src(%dma_wait3A_31 : memref<24x64xf32, #tpu.memory_space<hbm>>) dst(%dma_wait3A_28 : memref<24x64xf32, #tpu.memory_space<vmem_shared>>)
        tpu.yield
      }) : () -> ()
    } else {
    }
    "tpu.region"() ({
      %run_scoped3A = tpu.sem_alloc : memref<!tpu.dma_semaphore, #tpu.memory_space<semaphore_mem>>
      %dma_start3A = arith.constant 0 : i32
      %dma_start3A_22 = arith.constant 0 : i32
      %dma_start3A_23 = tpu.memref_slice %arg3[%add3A, %dma_start3A, %dma_start3A_22] : memref<32x128x80xi32, #tpu.memory_space<hbm>> -> memref<1x128x80xi32, #tpu.memory_space<hbm>>
      %dma_start3A_24 = tpu.memref_squeeze %dma_start3A_23 : memref<1x128x80xi32, #tpu.memory_space<hbm>> -> memref<128x80xi32, #tpu.memory_space<hbm>>
      %dma_start3A_25 = arith.constant 0 : i32
      %dma_start3A_26 = arith.constant 0 : i32
      %dma_start3A_27 = tpu.memref_slice %arg3[%add3A, %dma_start3A_25, %dma_start3A_26] : memref<32x128x80xi32, #tpu.memory_space<hbm>> -> memref<1x128x80xi32, #tpu.memory_space<hbm>>
      %dma_start3A_28 = tpu.memref_squeeze %dma_start3A_27 : memref<1x128x80xi32, #tpu.memory_space<hbm>> -> memref<128x80xi32, #tpu.memory_space<hbm>>
      tpu.enqueue_dma source(%dma_start3A_28 : memref<128x80xi32, #tpu.memory_space<hbm>>) target(%arg7 : memref<128x80xi32, #tpu.memory_space<vmem>>) target_semaphore(%run_scoped3A : memref<!tpu.dma_semaphore, #tpu.memory_space<semaphore_mem>>)
      %dma_wait3A = arith.constant 0 : i32
      %dma_wait3A_29 = arith.constant 0 : i32
      %dma_wait3A_30 = tpu.memref_slice %arg3[%add3A, %dma_wait3A, %dma_wait3A_29] : memref<32x128x80xi32, #tpu.memory_space<hbm>> -> memref<1x128x80xi32, #tpu.memory_space<hbm>>
      %dma_wait3A_31 = tpu.memref_squeeze %dma_wait3A_30 : memref<1x128x80xi32, #tpu.memory_space<hbm>> -> memref<128x80xi32, #tpu.memory_space<hbm>>
      %dma_wait3A_32 = arith.constant 0 : i32
      %dma_wait3A_33 = arith.constant 0 : i32
      %dma_wait3A_34 = tpu.memref_slice %arg3[%add3A, %dma_wait3A_32, %dma_wait3A_33] : memref<32x128x80xi32, #tpu.memory_space<hbm>> -> memref<1x128x80xi32, #tpu.memory_space<hbm>>
      %dma_wait3A_35 = tpu.memref_squeeze %dma_wait3A_34 : memref<1x128x80xi32, #tpu.memory_space<hbm>> -> memref<128x80xi32, #tpu.memory_space<hbm>>
      tpu.wait_dma2 semaphore(%run_scoped3A : memref<!tpu.dma_semaphore, #tpu.memory_space<semaphore_mem>>) src(%dma_wait3A_35 : memref<128x80xi32, #tpu.memory_space<hbm>>) dst(%arg7 : memref<128x80xi32, #tpu.memory_space<vmem>>)
      tpu.yield
    }) : () -> ()
    "tpu.region"() ({
      %run_scoped3A = tpu.sem_alloc : memref<!tpu.dma_semaphore, #tpu.memory_space<semaphore_mem>>
      %dma_start3A = arith.constant 0 : i32
      %dma_start3A_22 = arith.constant 0 : i32
      %dma_start3A_23 = tpu.memref_slice %arg4[%add3A, %dma_start3A, %dma_start3A_22] : memref<32x128x80xi32, #tpu.memory_space<hbm>> -> memref<1x128x80xi32, #tpu.memory_space<hbm>>
      %dma_start3A_24 = tpu.memref_squeeze %dma_start3A_23 : memref<1x128x80xi32, #tpu.memory_space<hbm>> -> memref<128x80xi32, #tpu.memory_space<hbm>>
      %dma_start3A_25 = arith.constant 0 : i32
      %dma_start3A_26 = arith.constant 0 : i32
      %dma_start3A_27 = tpu.memref_slice %arg4[%add3A, %dma_start3A_25, %dma_start3A_26] : memref<32x128x80xi32, #tpu.memory_space<hbm>> -> memref<1x128x80xi32, #tpu.memory_space<hbm>>
      %dma_start3A_28 = tpu.memref_squeeze %dma_start3A_27 : memref<1x128x80xi32, #tpu.memory_space<hbm>> -> memref<128x80xi32, #tpu.memory_space<hbm>>
      tpu.enqueue_dma source(%dma_start3A_28 : memref<128x80xi32, #tpu.memory_space<hbm>>) target(%arg8 : memref<128x80xi32, #tpu.memory_space<vmem>>) target_semaphore(%run_scoped3A : memref<!tpu.dma_semaphore, #tpu.memory_space<semaphore_mem>>)
      %dma_wait3A = arith.constant 0 : i32
      %dma_wait3A_29 = arith.constant 0 : i32
      %dma_wait3A_30 = tpu.memref_slice %arg4[%add3A, %dma_wait3A, %dma_wait3A_29] : memref<32x128x80xi32, #tpu.memory_space<hbm>> -> memref<1x128x80xi32, #tpu.memory_space<hbm>>
      %dma_wait3A_31 = tpu.memref_squeeze %dma_wait3A_30 : memref<1x128x80xi32, #tpu.memory_space<hbm>> -> memref<128x80xi32, #tpu.memory_space<hbm>>
      %dma_wait3A_32 = arith.constant 0 : i32
      %dma_wait3A_33 = arith.constant 0 : i32
      %dma_wait3A_34 = tpu.memref_slice %arg4[%add3A, %dma_wait3A_32, %dma_wait3A_33] : memref<32x128x80xi32, #tpu.memory_space<hbm>> -> memref<1x128x80xi32, #tpu.memory_space<hbm>>
      %dma_wait3A_35 = tpu.memref_squeeze %dma_wait3A_34 : memref<1x128x80xi32, #tpu.memory_space<hbm>> -> memref<128x80xi32, #tpu.memory_space<hbm>>
      tpu.wait_dma2 semaphore(%run_scoped3A : memref<!tpu.dma_semaphore, #tpu.memory_space<semaphore_mem>>) src(%dma_wait3A_35 : memref<128x80xi32, #tpu.memory_space<hbm>>) dst(%arg8 : memref<128x80xi32, #tpu.memory_space<vmem>>)
      tpu.yield
    }) : () -> ()
    %barrier3A = arith.constant 0 : index
    tpu.barrier barrier_id(%barrier3A)
    %scan3A = arith.constant 0 : i32
    %scan3A_7 = arith.constant 0 : i32
    %scan3A_8 = arith.constant 128 : i32
    %scan3A_9 = arith.addi %scan3A_7, %scan3A_8 : i32
    %scan3A_10 = arith.constant 1 : i32
    scf.for %scan3A_22 = %scan3A_7 to %scan3A_9 step %scan3A_10  : i32 {
      %dma_start3A = arith.constant 0 : i32
      %dma_start3A_23 = tpu.memref_slice %arg7[%scan3A_22, %dma_start3A] : memref<128x80xi32, #tpu.memory_space<vmem>> -> memref<1x80xi32, #tpu.memory_space<vmem>>
      %dma_start3A_24 = tpu.memref_squeeze %dma_start3A_23 : memref<1x80xi32, #tpu.memory_space<vmem>> -> memref<80xi32, #tpu.memory_space<vmem>>
      %dma_start3A_25 = arith.constant 0 : i32
      %dma_start3A_26 = arith.constant 0 : i32
      %dma_start3A_27 = tpu.memref_slice %arg2[%dma_start3A_25, %dma_start3A_26] : memref<10000x64xf32, #tpu.memory_space<hbm>> -> memref<10000x64xf32, #tpu.memory_space<hbm>>
      tpu.enqueue_indirect_dma source(%dma_start3A_27 : memref<10000x64xf32, #tpu.memory_space<hbm>>) target(%arg9 : memref<80x64xf32, #tpu.memory_space<vmem>>) offsets(%dma_start3A_24 : memref<80xi32, #tpu.memory_space<vmem>>) semaphore(%arg11 : memref<!tpu.dma_semaphore, #tpu.memory_space<semaphore_mem>>)
      %dma_wait3A = arith.constant 0 : i32
      %dma_wait3A_28 = tpu.memref_slice %arg7[%scan3A_22, %dma_wait3A] : memref<128x80xi32, #tpu.memory_space<vmem>> -> memref<1x80xi32, #tpu.memory_space<vmem>>
      %dma_wait3A_29 = tpu.memref_squeeze %dma_wait3A_28 : memref<1x80xi32, #tpu.memory_space<vmem>> -> memref<80xi32, #tpu.memory_space<vmem>>
      %dma_wait3A_30 = arith.constant 0 : i32
      %dma_wait3A_31 = arith.constant 0 : i32
      %dma_wait3A_32 = tpu.memref_slice %arg2[%dma_wait3A_30, %dma_wait3A_31] : memref<10000x64xf32, #tpu.memory_space<hbm>> -> memref<10000x64xf32, #tpu.memory_space<hbm>>
      tpu.wait_indirect_dma semaphore(%arg11 : memref<!tpu.dma_semaphore, #tpu.memory_space<semaphore_mem>>) src(%dma_wait3A_32 : memref<10000x64xf32, #tpu.memory_space<hbm>>) dst(%arg9 : memref<80x64xf32, #tpu.memory_space<vmem>>)
      "tpu.region"() ({
        %run_scoped3A = tpu.sem_alloc : memref<!tpu.dma_semaphore, #tpu.memory_space<semaphore_mem>>
        %dma_start3A_33 = arith.constant 0 : i32
        %dma_start3A_34 = tpu.memref_slice %arg8[%scan3A_22, %dma_start3A_33] : memref<128x80xi32, #tpu.memory_space<vmem>> -> memref<1x80xi32, #tpu.memory_space<vmem>>
        %dma_start3A_35 = tpu.memref_squeeze %dma_start3A_34 : memref<1x80xi32, #tpu.memory_space<vmem>> -> memref<80xi32, #tpu.memory_space<vmem>>
        %dma_start3A_36 = arith.constant 0 : i32
        %dma_start3A_37 = arith.constant 0 : i32
        %dma_start3A_38 = tpu.memref_slice %arg10[%dma_start3A_36, %dma_start3A_37] : memref<10008x64xf32, #tpu.memory_space<vmem_shared>> -> memref<10008x64xf32, #tpu.memory_space<vmem_shared>>
        tpu.enqueue_indirect_dma source(%arg9 : memref<80x64xf32, #tpu.memory_space<vmem>>) target(%dma_start3A_38 : memref<10008x64xf32, #tpu.memory_space<vmem_shared>>) offsets(%dma_start3A_35 : memref<80xi32, #tpu.memory_space<vmem>>) semaphore(%run_scoped3A : memref<!tpu.dma_semaphore, #tpu.memory_space<semaphore_mem>>) {add = true}
        %dma_wait3A_39 = arith.constant 0 : i32
        %dma_wait3A_40 = tpu.memref_slice %arg8[%scan3A_22, %dma_wait3A_39] : memref<128x80xi32, #tpu.memory_space<vmem>> -> memref<1x80xi32, #tpu.memory_space<vmem>>
        %dma_wait3A_41 = tpu.memref_squeeze %dma_wait3A_40 : memref<1x80xi32, #tpu.memory_space<vmem>> -> memref<80xi32, #tpu.memory_space<vmem>>
        %dma_wait3A_42 = arith.constant 0 : i32
        %dma_wait3A_43 = arith.constant 0 : i32
        %dma_wait3A_44 = tpu.memref_slice %arg10[%dma_wait3A_42, %dma_wait3A_43] : memref<10008x64xf32, #tpu.memory_space<vmem_shared>> -> memref<10008x64xf32, #tpu.memory_space<vmem_shared>>
        tpu.wait_indirect_dma semaphore(%run_scoped3A : memref<!tpu.dma_semaphore, #tpu.memory_space<semaphore_mem>>) src(%arg9 : memref<80x64xf32, #tpu.memory_space<vmem>>) dst(%dma_wait3A_44 : memref<10008x64xf32, #tpu.memory_space<vmem_shared>>)
        tpu.yield
      }) : () -> ()
    }
    %scan3A_11 = arith.constant 128 : i32
    %barrier3A_12 = arith.constant 0 : index
    tpu.barrier barrier_id(%barrier3A_12)
    %mul3A_13 = arith.constant 624 : i32
    %mul3A_14 = arith.muli %arg1, %mul3A_13 : i32
    %mul3A_15 = arith.constant 624 : i32
    %mul3A_16 = arith.muli %arg1, %mul3A_15 : i32
    "tpu.region"() ({
      %run_scoped3A = tpu.sem_alloc : memref<!tpu.dma_semaphore, #tpu.memory_space<semaphore_mem>>
      %dma_start3A = arith.constant 0 : i32
      %dma_start3A_22 = tpu.memref_slice %arg6[%arg0, %mul3A_16, %dma_start3A] : memref<2x10000x64xf32, #tpu.memory_space<hbm>> -> memref<1x624x64xf32, #tpu.memory_space<hbm>>
      %dma_start3A_23 = tpu.memref_squeeze %dma_start3A_22 : memref<1x624x64xf32, #tpu.memory_space<hbm>> -> memref<624x64xf32, #tpu.memory_space<hbm>>
      %dma_start3A_24 = arith.constant 0 : i32
      %dma_start3A_25 = tpu.memref_slice %arg10[%mul3A_14, %dma_start3A_24] : memref<10008x64xf32, #tpu.memory_space<vmem_shared>> -> memref<624x64xf32, #tpu.memory_space<vmem_shared>>
      tpu.enqueue_dma source(%dma_start3A_25 : memref<624x64xf32, #tpu.memory_space<vmem_shared>>) target(%dma_start3A_23 : memref<624x64xf32, #tpu.memory_space<hbm>>) target_semaphore(%run_scoped3A : memref<!tpu.dma_semaphore, #tpu.memory_space<semaphore_mem>>)
      %dma_wait3A = arith.constant 0 : i32
      %dma_wait3A_26 = tpu.memref_slice %arg6[%arg0, %mul3A_16, %dma_wait3A] : memref<2x10000x64xf32, #tpu.memory_space<hbm>> -> memref<1x624x64xf32, #tpu.memory_space<hbm>>
      %dma_wait3A_27 = tpu.memref_squeeze %dma_wait3A_26 : memref<1x624x64xf32, #tpu.memory_space<hbm>> -> memref<624x64xf32, #tpu.memory_space<hbm>>
      %dma_wait3A_28 = arith.constant 0 : i32
      %dma_wait3A_29 = tpu.memref_slice %arg10[%mul3A_14, %dma_wait3A_28] : memref<10008x64xf32, #tpu.memory_space<vmem_shared>> -> memref<624x64xf32, #tpu.memory_space<vmem_shared>>
      tpu.wait_dma2 semaphore(%run_scoped3A : memref<!tpu.dma_semaphore, #tpu.memory_space<semaphore_mem>>) src(%dma_wait3A_29 : memref<624x64xf32, #tpu.memory_space<vmem_shared>>) dst(%dma_wait3A_27 : memref<624x64xf32, #tpu.memory_space<hbm>>)
      tpu.yield
    }) : () -> ()
    %eq3A_17 = arith.constant 0 : i32
    %eq3A_18 = arith.cmpi eq, %arg1, %eq3A_17 : i32
    %convert_element_type3A_19 = arith.extui %eq3A_18 : i1 to i32
    %cond3A_20 = arith.constant 0 : i32
    %cond3A_21 = arith.cmpi ne, %convert_element_type3A_19, %cond3A_20 : i32
    scf.if %cond3A_21 {
      "tpu.region"() ({
        %run_scoped3A = tpu.sem_alloc : memref<!tpu.dma_semaphore, #tpu.memory_space<semaphore_mem>>
        %dma_start3A = arith.constant 9984 : i32
        %dma_start3A_22 = arith.constant 0 : i32
        %dma_start3A_23 = tpu.memref_slice %arg6[%arg0, %dma_start3A, %dma_start3A_22] : memref<2x10000x64xf32, #tpu.memory_space<hbm>> -> memref<1x16x64xf32, #tpu.memory_space<hbm>>
        %dma_start3A_24 = tpu.memref_squeeze %dma_start3A_23 : memref<1x16x64xf32, #tpu.memory_space<hbm>> -> memref<16x64xf32, #tpu.memory_space<hbm>>
        %dma_start3A_25 = arith.constant 9984 : i32
        %dma_start3A_26 = arith.constant 0 : i32
        %dma_start3A_27 = tpu.memref_slice %arg10[%dma_start3A_25, %dma_start3A_26] : memref<10008x64xf32, #tpu.memory_space<vmem_shared>> -> memref<16x64xf32, #tpu.memory_space<vmem_shared>>
        tpu.enqueue_dma source(%dma_start3A_27 : memref<16x64xf32, #tpu.memory_space<vmem_shared>>) target(%dma_start3A_24 : memref<16x64xf32, #tpu.memory_space<hbm>>) target_semaphore(%run_scoped3A : memref<!tpu.dma_semaphore, #tpu.memory_space<semaphore_mem>>)
        %dma_wait3A = arith.constant 9984 : i32
        %dma_wait3A_28 = arith.constant 0 : i32
        %dma_wait3A_29 = tpu.memref_slice %arg6[%arg0, %dma_wait3A, %dma_wait3A_28] : memref<2x10000x64xf32, #tpu.memory_space<hbm>> -> memref<1x16x64xf32, #tpu.memory_space<hbm>>
        %dma_wait3A_30 = tpu.memref_squeeze %dma_wait3A_29 : memref<1x16x64xf32, #tpu.memory_space<hbm>> -> memref<16x64xf32, #tpu.memory_space<hbm>>
        %dma_wait3A_31 = arith.constant 9984 : i32
        %dma_wait3A_32 = arith.constant 0 : i32
        %dma_wait3A_33 = tpu.memref_slice %arg10[%dma_wait3A_31, %dma_wait3A_32] : memref<10008x64xf32, #tpu.memory_space<vmem_shared>> -> memref<16x64xf32, #tpu.memory_space<vmem_shared>>
        tpu.wait_dma2 semaphore(%run_scoped3A : memref<!tpu.dma_semaphore, #tpu.memory_space<semaphore_mem>>) src(%dma_wait3A_33 : memref<16x64xf32, #tpu.memory_space<vmem_shared>>) dst(%dma_wait3A_30 : memref<16x64xf32, #tpu.memory_space<hbm>>)
        tpu.yield
      }) : () -> ()
    } else {
    }
    return
  }
}

module attributes {stable_mosaic.version = 14 : i64} {
  func.func @body(%arg0: memref<10000x128xf32, #tpu.memory_space<vmem>>, %arg1: memref<2x10000x128xf32, #tpu.memory_space<vmem>>, %arg2: memref<128x64xf32, #tpu.memory_space<vmem>>, %arg3: memref<1x64xf32, #tpu.memory_space<vmem>>, %arg4: memref<64x64xf32, #tpu.memory_space<vmem>>, %arg5: memref<1x64xf32, #tpu.memory_space<vmem>>, %arg6: memref<10000x64xf32, #tpu.memory_space<vmem>>) attributes {dimension_semantics = [], scalar_prefetch = 0 : i64, scratch_operands = 0 : i64, tpu.core_type = #tpu.core_type<tc>} {
    %get3A = arith.constant 0 : index
    %get3A_0 = arith.constant 0 : index
    %get3A_1 = vector.load %arg0[%get3A, %get3A_0] : memref<10000x128xf32, #tpu.memory_space<vmem>>, vector<10000x128xf32>
    %get3A_2 = arith.constant 0 : index
    %get3A_3 = arith.constant 0 : index
    %get3A_4 = arith.constant 0 : index
    %get3A_5 = vector.load %arg1[%get3A_2, %get3A_3, %get3A_4] : memref<2x10000x128xf32, #tpu.memory_space<vmem>>, vector<1x10000x128xf32>
    %get3A_6 = vector.shape_cast %get3A_5 : vector<1x10000x128xf32> to vector<10000x128xf32>
    %get3A_7 = arith.constant 1 : index
    %get3A_8 = arith.constant 0 : index
    %get3A_9 = arith.constant 0 : index
    %get3A_10 = vector.load %arg1[%get3A_7, %get3A_8, %get3A_9] : memref<2x10000x128xf32, #tpu.memory_space<vmem>>, vector<1x10000x128xf32>
    %get3A_11 = vector.shape_cast %get3A_10 : vector<1x10000x128xf32> to vector<10000x128xf32>
    %add3A = arith.addf %get3A_6, %get3A_11 : vector<10000x128xf32>
    %add3A_12 = arith.addf %get3A_1, %add3A : vector<10000x128xf32>
    %get3A_13 = arith.constant 0 : index
    %get3A_14 = arith.constant 0 : index
    %get3A_15 = vector.load %arg2[%get3A_13, %get3A_14] : memref<128x64xf32, #tpu.memory_space<vmem>>, vector<128x64xf32>
    %dot_general3A = arith.constant dense<0.000000e+00> : vector<10000x64xf32>
    %dot_general3A_16 = tpu.matmul %add3A_12, %get3A_15, %dot_general3A {dimension_numbers = #tpu.dot_dimension_numbers<[1], [0], [0], [1], [0, 0, 1, 1], [], []>, transpose_lhs_hint = false} : vector<10000x128xf32>, vector<128x64xf32>, vector<10000x64xf32> -> vector<10000x64xf32>
    %get3A_17 = arith.constant 0 : index
    %get3A_18 = arith.constant 0 : index
    %get3A_19 = vector.load %arg3[%get3A_17, %get3A_18] : memref<1x64xf32, #tpu.memory_space<vmem>>, vector<1x64xf32>
    %add3A_20 = vector.broadcast %get3A_19 : vector<1x64xf32> to vector<10000x64xf32>
    %add3A_21 = arith.addf %dot_general3A_16, %add3A_20 : vector<10000x64xf32>
    %max3A = arith.constant 0.000000e+00 : f32
    %max3A_22 = vector.broadcast %max3A : f32 to vector<10000x64xf32>
    %max3A_23 = arith.maximumf %add3A_21, %max3A_22 : vector<10000x64xf32>
    %get3A_24 = arith.constant 0 : index
    %get3A_25 = arith.constant 0 : index
    %get3A_26 = vector.load %arg4[%get3A_24, %get3A_25] : memref<64x64xf32, #tpu.memory_space<vmem>>, vector<64x64xf32>
    %dot_general3A_27 = arith.constant dense<0.000000e+00> : vector<10000x64xf32>
    %dot_general3A_28 = tpu.matmul %max3A_23, %get3A_26, %dot_general3A_27 {dimension_numbers = #tpu.dot_dimension_numbers<[1], [0], [0], [1], [0, 0, 1, 1], [], []>, transpose_lhs_hint = false} : vector<10000x64xf32>, vector<64x64xf32>, vector<10000x64xf32> -> vector<10000x64xf32>
    %get3A_29 = arith.constant 0 : index
    %get3A_30 = arith.constant 0 : index
    %get3A_31 = vector.load %arg5[%get3A_29, %get3A_30] : memref<1x64xf32, #tpu.memory_space<vmem>>, vector<1x64xf32>
    %add3A_32 = vector.broadcast %get3A_31 : vector<1x64xf32> to vector<10000x64xf32>
    %add3A_33 = arith.addf %dot_general3A_28, %add3A_32 : vector<10000x64xf32>
    %swap3A = arith.constant 0 : index
    %swap3A_34 = arith.constant 0 : index
    %swap3A_35 = vector.load %arg6[%swap3A, %swap3A_34] : memref<10000x64xf32, #tpu.memory_space<vmem>>, vector<10000x64xf32>
    tpu.vector_store %arg6[%swap3A, %swap3A_34], %add3A_33 {strides = array<i32>} : memref<10000x64xf32, #tpu.memory_space<vmem>>, vector<10000x64xf32>,
    return
  }
}

module attributes {stable_mosaic.version = 14 : i64} {
  func.func @body(%arg0: memref<10000x64xf32, #tpu.memory_space<vmem>>, %arg1: memref<1x64xf32, #tpu.memory_space<vmem>>, %arg2: memref<1x64xf32, #tpu.memory_space<vmem>>, %arg3: memref<1x64xf32, #tpu.memory_space<vmem>>, %arg4: memref<1x64xf32, #tpu.memory_space<vmem>>, %arg5: memref<10000x64xf32, #tpu.memory_space<vmem>>) attributes {dimension_semantics = [], scalar_prefetch = 0 : i64, scratch_operands = 0 : i64, tpu.core_type = #tpu.core_type<tc>} {
    %get3A = arith.constant 0 : index
    %get3A_0 = arith.constant 0 : index
    %get3A_1 = vector.load %arg3[%get3A, %get3A_0] : memref<1x64xf32, #tpu.memory_space<vmem>>, vector<1x64xf32>
    %get3A_2 = arith.constant 0 : index
    %get3A_3 = arith.constant 0 : index
    %get3A_4 = vector.load %arg0[%get3A_2, %get3A_3] : memref<10000x64xf32, #tpu.memory_space<vmem>>, vector<10000x64xf32>
    %get3A_5 = arith.constant 0 : index
    %get3A_6 = arith.constant 0 : index
    %get3A_7 = vector.load %arg1[%get3A_5, %get3A_6] : memref<1x64xf32, #tpu.memory_space<vmem>>, vector<1x64xf32>
    %sub3A = vector.broadcast %get3A_7 : vector<1x64xf32> to vector<10000x64xf32>
    %sub3A_8 = arith.subf %get3A_4, %sub3A : vector<10000x64xf32>
    %mul3A = vector.broadcast %get3A_1 : vector<1x64xf32> to vector<10000x64xf32>
    %mul3A_9 = arith.mulf %mul3A, %sub3A_8 : vector<10000x64xf32>
    %get3A_10 = arith.constant 0 : index
    %get3A_11 = arith.constant 0 : index
    %get3A_12 = vector.load %arg2[%get3A_10, %get3A_11] : memref<1x64xf32, #tpu.memory_space<vmem>>, vector<1x64xf32>
    %add3A = arith.constant 9.99999974E-6 : f32
    %add3A_13 = vector.broadcast %add3A : f32 to vector<1x64xf32>
    %add3A_14 = arith.addf %get3A_12, %add3A_13 : vector<1x64xf32>
    %rsqrt3A = math.rsqrt %add3A_14 : vector<1x64xf32>
    %mul3A_15 = vector.broadcast %rsqrt3A : vector<1x64xf32> to vector<10000x64xf32>
    %mul3A_16 = arith.mulf %mul3A_9, %mul3A_15 : vector<10000x64xf32>
    %get3A_17 = arith.constant 0 : index
    %get3A_18 = arith.constant 0 : index
    %get3A_19 = vector.load %arg4[%get3A_17, %get3A_18] : memref<1x64xf32, #tpu.memory_space<vmem>>, vector<1x64xf32>
    %add3A_20 = vector.broadcast %get3A_19 : vector<1x64xf32> to vector<10000x64xf32>
    %add3A_21 = arith.addf %mul3A_16, %add3A_20 : vector<10000x64xf32>
    %max3A = arith.constant 0.000000e+00 : f32
    %max3A_22 = vector.broadcast %max3A : f32 to vector<10000x64xf32>
    %max3A_23 = arith.maximumf %add3A_21, %max3A_22 : vector<10000x64xf32>
    %swap3A = arith.constant 0 : index
    %swap3A_24 = arith.constant 0 : index
    %swap3A_25 = vector.load %arg5[%swap3A, %swap3A_24] : memref<10000x64xf32, #tpu.memory_space<vmem>>, vector<10000x64xf32>
    tpu.vector_store %arg5[%swap3A, %swap3A_24], %max3A_23 {strides = array<i32>} : memref<10000x64xf32, #tpu.memory_space<vmem>>, vector<10000x64xf32>,
    return
  }
}

module attributes {stable_mosaic.version = 14 : i64} {
  func.func @body(%arg0: memref<10000x64xf32, #tpu.memory_space<vmem>>, %arg1: memref<2x10000x64xf32, #tpu.memory_space<vmem>>, %arg2: memref<64x64xf32, #tpu.memory_space<vmem>>, %arg3: memref<1x64xf32, #tpu.memory_space<vmem>>, %arg4: memref<64x64xf32, #tpu.memory_space<vmem>>, %arg5: memref<1x64xf32, #tpu.memory_space<vmem>>, %arg6: memref<10000x64xf32, #tpu.memory_space<vmem>>) attributes {dimension_semantics = [], scalar_prefetch = 0 : i64, scratch_operands = 0 : i64, tpu.core_type = #tpu.core_type<tc>} {
    %get3A = arith.constant 0 : index
    %get3A_0 = arith.constant 0 : index
    %get3A_1 = vector.load %arg0[%get3A, %get3A_0] : memref<10000x64xf32, #tpu.memory_space<vmem>>, vector<10000x64xf32>
    %get3A_2 = arith.constant 0 : index
    %get3A_3 = arith.constant 0 : index
    %get3A_4 = arith.constant 0 : index
    %get3A_5 = vector.load %arg1[%get3A_2, %get3A_3, %get3A_4] : memref<2x10000x64xf32, #tpu.memory_space<vmem>>, vector<1x10000x64xf32>
    %get3A_6 = vector.shape_cast %get3A_5 : vector<1x10000x64xf32> to vector<10000x64xf32>
    %get3A_7 = arith.constant 1 : index
    %get3A_8 = arith.constant 0 : index
    %get3A_9 = arith.constant 0 : index
    %get3A_10 = vector.load %arg1[%get3A_7, %get3A_8, %get3A_9] : memref<2x10000x64xf32, #tpu.memory_space<vmem>>, vector<1x10000x64xf32>
    %get3A_11 = vector.shape_cast %get3A_10 : vector<1x10000x64xf32> to vector<10000x64xf32>
    %add3A = arith.addf %get3A_6, %get3A_11 : vector<10000x64xf32>
    %add3A_12 = arith.addf %get3A_1, %add3A : vector<10000x64xf32>
    %get3A_13 = arith.constant 0 : index
    %get3A_14 = arith.constant 0 : index
    %get3A_15 = vector.load %arg2[%get3A_13, %get3A_14] : memref<64x64xf32, #tpu.memory_space<vmem>>, vector<64x64xf32>
    %dot_general3A = arith.constant dense<0.000000e+00> : vector<10000x64xf32>
    %dot_general3A_16 = tpu.matmul %add3A_12, %get3A_15, %dot_general3A {dimension_numbers = #tpu.dot_dimension_numbers<[1], [0], [0], [1], [0, 0, 1, 1], [], []>, transpose_lhs_hint = false} : vector<10000x64xf32>, vector<64x64xf32>, vector<10000x64xf32> -> vector<10000x64xf32>
    %get3A_17 = arith.constant 0 : index
    %get3A_18 = arith.constant 0 : index
    %get3A_19 = vector.load %arg3[%get3A_17, %get3A_18] : memref<1x64xf32, #tpu.memory_space<vmem>>, vector<1x64xf32>
    %add3A_20 = vector.broadcast %get3A_19 : vector<1x64xf32> to vector<10000x64xf32>
    %add3A_21 = arith.addf %dot_general3A_16, %add3A_20 : vector<10000x64xf32>
    %max3A = arith.constant 0.000000e+00 : f32
    %max3A_22 = vector.broadcast %max3A : f32 to vector<10000x64xf32>
    %max3A_23 = arith.maximumf %add3A_21, %max3A_22 : vector<10000x64xf32>
    %get3A_24 = arith.constant 0 : index
    %get3A_25 = arith.constant 0 : index
    %get3A_26 = vector.load %arg4[%get3A_24, %get3A_25] : memref<64x64xf32, #tpu.memory_space<vmem>>, vector<64x64xf32>
    %dot_general3A_27 = arith.constant dense<0.000000e+00> : vector<10000x64xf32>
    %dot_general3A_28 = tpu.matmul %max3A_23, %get3A_26, %dot_general3A_27 {dimension_numbers = #tpu.dot_dimension_numbers<[1], [0], [0], [1], [0, 0, 1, 1], [], []>, transpose_lhs_hint = false} : vector<10000x64xf32>, vector<64x64xf32>, vector<10000x64xf32> -> vector<10000x64xf32>
    %get3A_29 = arith.constant 0 : index
    %get3A_30 = arith.constant 0 : index
    %get3A_31 = vector.load %arg5[%get3A_29, %get3A_30] : memref<1x64xf32, #tpu.memory_space<vmem>>, vector<1x64xf32>
    %add3A_32 = vector.broadcast %get3A_31 : vector<1x64xf32> to vector<10000x64xf32>
    %add3A_33 = arith.addf %dot_general3A_28, %add3A_32 : vector<10000x64xf32>
    %swap3A = arith.constant 0 : index
    %swap3A_34 = arith.constant 0 : index
    %swap3A_35 = vector.load %arg6[%swap3A, %swap3A_34] : memref<10000x64xf32, #tpu.memory_space<vmem>>, vector<10000x64xf32>
    tpu.vector_store %arg6[%swap3A, %swap3A_34], %add3A_33 {strides = array<i32>} : memref<10000x64xf32, #tpu.memory_space<vmem>>, vector<10000x64xf32>,
    return
  }
}

</mosaic_0001>

<sc_bundles>
// kernel: gather_offload_async_start.1
scs
__scs_entry_jumppad:
0x0: {  	(pc) =	sbr.rel $0x88, $3  }
0x1: {  	(tag) =	ssettag $0x0;
	lr =	simm.s32 $0x1  }
0x2: {  	[smem:$0x3F87] =	sst lr;
	_ =	strace $0xD0000000  }
0x3: {  	_ = 	snop  }
0x4: {  	_ = 	snop  }
0x5: {  	_ = 	snop  }
0x6: {  	_ = 	snop  }
0x7: {  	_ = 	snop  }
__scs_overlays_trampoline_lowered:
0x8: {  	[smem:$0x3F96] =	sst s0  }
0x9: {  	[smem:$0x3F97] =	sst s1  }
0xa: {  	[smem:$0x3F98] =	sst s2  }
0xb: {  	[smem:$0x3F99] =	sst s3  }
0xc: {  	[smem:$0x3F9A] =	sst s4  }
0xd: {  	[smem:$0x3F9B] =	sst s5  }
0xe: {  	[smem:$0x3F9C] =	sst s6  }
0xf: {  	[smem:$0x3F9D] =	sst s7  }
0x10: {  	[smem:$0x3F9E] =	sst s8  }
0x11: {  	[smem:$0x3F9F] =	sst s9;
	s0 =	simm.s32 @!p0 $0x0  }
0x12: {  	s1 =	sld [smem:$0x3F85];
	s0 =	simm.s32 @p0 $0x1  }
0x13: {  	[smem:$0x3FA0] =	sst s0;
	s0 =	simm.s32 @!p1 $0x0  }
0x14: {  	s2 =	sld [smem:$0x3F84];
	s0 =	simm.s32 @p1 $0x1  }
0x15: {  	[smem:$0x3FA1] =	sst s0;
	s0 =	simm.s32 @!p2 $0x0  }
0x16: {  	s3 =	sld [smem:$0x3FDB];
	s0 =	simm.s32 @p2 $0x1  }
0x17: {  	s4 =	simm.s32 $0x1BF5;
	[smem:$0x3FA3] =	sst s0  }
0x18: {  	s0 =	sld [smem:$0x3F86];
	_ =	swait.ge [sflag:s4], $0x0  }
0x19: {  	s7 =	sld [smem:$0x3F87]  }
0x1a: {  	s8 =	sadd.s32 $0xFFFFE003, lr  }
0x1b: {  	s9 =	sadd.s32 $0xFFFFFEF7, lr;
	s5 =	simm.s32 $0xFFFFFFFF;
	p2 =	slt.u32 s8, $0xFFFFF086  }
0x1c: {  	p1 =	slt.u32 s9, $0xF7A;
	s5 =	simm.s32 @!p2 $0x0  }
0x1d: {  	s5 =	simm.s32 @p1 $0x1;
	p0 =	seq.s32 s7, s2  }
0x1e: {  	s7 =	smul.u32 @!p0 $0xF7A, s2;
	p2 =	seq.s32 @!p0 s5, $0x0  }
0x1f: {  	s9 =	smul.u32 $0xF7A, s1;
	s8 =	simm.s32 @!p0 $0x1BF5;
	p2 =	por !p2, p0  }
0x20: {  	[sflag:s8] =	ssyncset.s32 @!p0 $0xFFFFF086;
	s6 =	sadd.s32 @!p0 s3, s7;
	s7 =	simm.s32 @!p0 $0x108  }
0x21: {  	s3 =	sadd.s32 s3, s9;
	s6 =	sadd.s32 @!p0 $0x88, s6;
	s7 =	simm.s32 @p2 $0x1082  }
0x22: {  	[simem:s7], [sflag:s8] =	dma.local @!p0 [hbm:s6], $0xF7A  }
0x23: {  	s9 =	sor.u32 $0xD0000000, s2;
	s6 =	simm.s32 $0x108;
	_ =	swait.ge @!p0 [sflag:s8], $0x0  }
0x24: {  	s3 =	sadd.s32 $0x88, s3;
	s6 =	simm.s32 @!p1 $0x1082;
	[sflag:s4] =	ssyncset.s32 $0xFFFFF086  }
0x25: {  	[simem:s6], [sflag:s4] =	dma.local [hbm:s3], $0xF7A  }
0x26: {  	[smem:$0x3F87] =	sst s1;
	(tag) =	ssettag s2;
	_ =	strace s9  }
0x27: {  	s1 =	sld [smem:$0x3F97]  }
0x28: {  	s2 =	sld [smem:$0x3F98]  }
0x29: {  	s4 =	sld [smem:$0x3F9A]  }
0x2a: {  	p0 =	seq.s32 s5, $0x0;
	s5 =	sld [smem:$0x3F9B]  }
0x2b: {  	s6 =	sld [smem:$0x3F9C]  }
0x2c: {  	s7 =	sld [smem:$0x3F9D]  }
0x2d: {  	s3 =	simm.s32 $0x108;
	s8 =	sld [smem:$0x3F9E]  }
0x2e: {  	s3 =	simm.s32 @!p0 $0x1082;
	s9 =	sld [smem:$0x3F9F]  }
0x2f: {  	lr =	sadd.s32 s0, s3;
	s0 =	sld [smem:$0x3F96]  }
0x30: {  	s3 =	sld [smem:$0x3F99]  }
0x31: {  	[smem:$0x3FA2] =	sst s10  }
0x32: {  	s10 =	sld [smem:$0x3FA0];
	_ =	sdelay $0x3  }
0x33: {  	p0 =	seq.s32 s10, $0x1;
	s10 =	sld [smem:$0x3FA2];
	_ =	sdelay $0x3  }
0x34: {  	[smem:$0x3FA2] =	sst s10  }
0x35: {  	s10 =	sld [smem:$0x3FA1];
	_ =	sdelay $0x3  }
0x36: {  	p1 =	seq.s32 s10, $0x1;
	s10 =	sld [smem:$0x3FA2];
	_ =	sdelay $0x3  }
0x37: {  	[smem:$0x3FA2] =	sst s10  }
0x38: {  	s10 =	sld [smem:$0x3FA3]  }
0x39: {  	_ = 	snop;
	(pc) =	sbr.ind lr, $3  }
0x3a: {  	_ = 	snop  }
0x3b: {  	_ = 	snop  }
0x3c: {  	p2 =	seq.s32 s10, $0x1;
	s10 =	sld [smem:$0x3FA2]  }
0x3d: {  	_ =	shalt  }
0x3e: {  	_ =	shalt  }
0x3f: {  	_ =	shalt  }
0x40: {  	_ =	shalt  }
0x41: {  	_ =	shalt  }
0x42: {  	_ =	shalt  }
0x43: {  	_ =	shalt  }
0x44: {  	_ =	shalt  }
0x45: {  	_ =	shalt  }
0x46: {  	_ =	shalt  }
0x47: {  	_ =	shalt  }
0x48: {  	_ =	shalt  }
0x49: {  	_ =	shalt  }
0x4a: {  	_ =	shalt  }
0x4b: {  	_ =	shalt  }
0x4c: {  	_ =	shalt  }
0x4d: {  	_ =	shalt  }
0x4e: {  	_ =	shalt  }
0x4f: {  	_ =	shalt  }
0x50: {  	_ =	shalt  }
0x51: {  	_ =	shalt  }
0x52: {  	_ =	shalt  }
0x53: {  	_ =	shalt  }
0x54: {  	_ =	shalt  }
0x55: {  	_ =	shalt  }
0x56: {  	_ =	shalt  }
0x57: {  	_ =	shalt  }
0x58: {  	_ =	shalt  }
0x59: {  	_ =	shalt  }
0x5a: {  	_ =	shalt  }
0x5b: {  	_ =	shalt  }
0x5c: {  	_ =	shalt  }
0x5d: {  	_ =	shalt  }
0x5e: {  	_ =	shalt  }
0x5f: {  	_ =	shalt  }
0x60: {  	_ =	shalt  }
0x61: {  	_ =	shalt  }
0x62: {  	_ =	shalt  }
0x63: {  	_ =	shalt  }
0x64: {  	_ =	shalt  }
0x65: {  	_ =	shalt  }
0x66: {  	_ =	shalt  }
0x67: {  	_ =	shalt  }
0x68: {  	_ =	shalt  }
0x69: {  	_ =	shalt  }
0x6a: {  	_ =	shalt  }
0x6b: {  	_ =	shalt  }
0x6c: {  	_ =	shalt  }
0x6d: {  	_ =	shalt  }
0x6e: {  	_ =	shalt  }
0x6f: {  	_ =	shalt  }
0x70: {  	_ =	shalt  }
0x71: {  	_ =	shalt  }
0x72: {  	_ =	shalt  }
0x73: {  	_ =	shalt  }
0x74: {  	_ =	shalt  }
0x75: {  	_ =	shalt  }
0x76: {  	_ =	shalt  }
0x77: {  	_ =	shalt  }
0x78: {  	_ =	shalt  }
0x79: {  	_ =	shalt  }
0x7a: {  	_ =	shalt  }
0x7b: {  	_ =	shalt  }
0x7c: {  	_ =	shalt  }
0x7d: {  	_ =	shalt  }
0x7e: {  	_ =	shalt  }
0x7f: {  	_ =	shalt  }
0x80: {  	_ =	shalt  }
0x81: {  	_ =	shalt  }
0x82: {  	_ =	shalt  }
0x83: {  	_ =	shalt  }
0x84: {  	_ =	shalt  }
0x85: {  	_ =	shalt  }
0x86: {  	_ =	shalt  }
0x87: {  	_ =	shalt  }
.Lfunc_end0:
.L_simem_size_0:
called_computation.1_lowered:
.L_overlay_start_0:
0x88: {  	s2 =	sld [smem:$0x3FD9]  }
0x89: {  	s3 =	sld [smem:$0x3FFE];
	_ =	sdelay $0x1  }
0x8a: {  	s1 =	srdreg.scid  }
0x8b: {  	s0 =	sand.u32 $0x1, s1  }
0x8c: {  	s16 =	sshll.u32 s0, $0xA;
	s2 =	sadd.s32 s3, s2  }
0x8d: {  	s2 =	sadd.s32 s2, s16  }
0x8e: {  	[smem:$0x3FAE] =	sst s2  }
0x8f: {  	_ = 	snop  }
0x90: {  	(tm) =	ssettm $0x1  }
0x91: {  	s17 =	sld [smem:$0x3FFB];
	_ =	sdelay $0x3  }
0x92: {  	_ =	strace s17  }
0x93: {  	s2 =	sld [smem:$0x3FFC];
	_ =	sdelay $0x3  }
0x94: {  	_ =	strace s2  }
0x95: {  	s2 =	sld [smem:$0x3FFD];
	_ =	sdelay $0x3  }
0x96: {  	_ =	strace s2  }
0x97: {  	_ =	strace $0x8FFFFFFF  }
0x98: {  	s18 =	sld [smem:$0x3FDB];
	_ =	sdelay $0x1  }
0x99: {  	s19 =	simm.s32 $_scs_section_size  }
0x9a: {  	s4 =	simm.s32 $_size__tile_overlayer_lowered;
	s5 =	simm.s32 $_tile_overlayer_lowered  }
0x9b: {  	s22 =	simm.s32 $0x1BFF;
	s21 =	sshll.u32 s5, $0x1;
	s2 =	sadd.s32 s19, s18  }
0x9c: {  	s6 =	simm.s32 $0x0;
	s20 =	sshll.u32 s4, $0x1;
	s4 =	sadd.s32 s21, s2  }
0x9d: {  	[timem:s6], [sflag:s22] =	dma.local [hbm:s4], s20  }
0x9e: {  	_ =	swait.ge [sflag:s22], s20  }
0x9f: {  	s3 =	ssub.s32 $0x0, s20;
	[sflag:s22] =	ssyncset.done $0x0  }
0xa0: {  	[sflag:s22] =	ssyncadd.s32 s3;
	_ =	sdelay $0x1  }
0xa1: {  	s23 =	simm.s32 $0x1B8B  }
0xa2: {  	_ =	swait.ge [sflag:s23], $0x1  }
0xa3: {  	[sflag:s23] =	ssyncset.done $0x0  }
0xa4: {  	s25 =	simm.s32 $0x1B8E;
	s24 =	sld [smem:$0x3FFE];
	[sflag:s23] =	ssyncadd.s32 $0xFFFFFFFF  }
0xa5: {  	s26 =	simm.s32 $execute0_lowered;
	[smem:$0x3FD2] =	sst s25  }
0xa6: {  	s4 =	sshll.u32 s26, $0x1;
	_ =	strace $0x80000046;
	[dreg:$0x1] =	wrdreg $0xFFFFFFFF  }
0xa7: {  	s28 =	simm.s32 $_size_execute0_lowered;
	s2 =	sadd.s32 s2, s4;
	[dreg:$0x0] =	wrdreg $0x0  }
0xa8: {  	s4 =	sshll.u32 s28, $0x1;
	[dreg:$0x2] =	wrdreg s2  }
0xa9: {  	[dreg:$0x3] =	wrdreg s4  }
0xaa: {  	[dreg:$0x4] =	wrdreg $0xC0  }
0xab: {  	_ =	task [dreg:s6], $0x5FFFF  }
0xac: {  	[dreg:$0x1] =	wrdreg $0xFFFFFFFF  }
0xad: {  	[dreg:$0x0] =	wrdreg $0x60  }
0xae: {  	[dreg:$0x2] =	wrdreg s24  }
0xaf: {  	[dreg:$0x3] =	wrdreg $0x9  }
0xb0: {  	_ =	task.clear_ibuf [dreg:s6], $0x4FFFF;
	_ =	strace $0x90000046  }
0xb1: {  	s29 =	simm.s32 $0x9;
	_ =	strace $0x80000048  }
0xb2: {  	_ =	swait.ge [sflag:s29], $0x1  }
0xb3: {  	[sflag:s29] =	ssyncadd.s32 $0xFFFFFFFF  }
0xb4: {  	_ =	strace $0x90000048  }
0xb5: {  	_ =	sfence  }
0xb6: {  	s30 =	sld [smem:$0x0];
	_ =	sdelay $0x2  }
0xb7: {  	s31 =	sshll.u32 s1, $0xD;
	s1 =	sshrl.u32 s1, $0x2  }
0xb8: {  	s3 =	sand.u32 $0x4000, s31;
	s1 =	sadd.s32 s1, s30  }
0xb9: {  	s0 =	sor.u32 s3, s0;
	s1 =	sshll.u32 s1, $0x11  }
0xba: {  	s0 =	sor.u32 s1, s0  }
0xbb: {  	s0 =	sadd.s32 $0x8F2B, s0  }
0xbc: {  	[sflag:s0] =	ssyncadd.remote.s32 $0x1  }
0xbd: {  	_ =	sfence.sel $0xFFFF  }
0xbe: {  	[dreg:$0x0] =	wrdreg $0xFFFFFFFF;
	(pc) =	sbr.abs _section_cstart, $3  }
0xbf: {  	[dreg:$0x1] =	wrdreg $0xFFFFFFFF  }
0xc0: {  	_ =	task.clear_ibuf [dreg:s6], $0x2FFFF;
	_ =	strace $0x9FFFFFFF  }
0xc1: {  	(tm) =	ssettm $0x7FFFFFFF  }
tec
execute0_lowered:
.L_overlay_start_1:
0x0: {  	(tag) =	ssettag $0x1  }
0x1: {  	s8 =	rddreg [dreg:$0x0]  }
0x2: {  	s0 =	rddreg [dreg:$0x1];
	_ =	strace $0x80000047;
	s1 =	stileid.u32  }
0x3: {  	s3 =	srdreg.scid;
	s4 =	simm.s32 $0x1;
	s7 =	simm.s32 $0x1  }
0x4: {  	s9 =	simm.s32 $0x1;
	s10 =	simm.s32 $0x3;
	s13 =	simm.s32 $0x0  }
0x5: {  	s12 =	simm.s32 $0x0;
	s5 =	sand.u32 $0x1, s3;
	s6 =	sshll.u32 s1, $0x1  }
0x6: {  	s2 =	sadd.s32 $0x7600, s8;
	s3 =	sadd.s32 $0x11400, s8;
	s5 =	sor.u32 s6, s5  }
.Ltmp0:
0x7: {  	[sflag:s4] =	ssyncpa.u1 $0x0;
	p0 =	slt.u32 s5, $0x9;
	(pc) =	sbr.rel .LBB2_1-.Ltmp0, $4  }
0x8: {  	s6 =	simm.s32 $0x2;
	s7 =	simm.s32 @!p0 $0x0;
	p0 =	sne.s32 s5, $0x8  }
0x9: {  	[sflag:s6] =	ssyncpa.u1 $0x0;
	s5 =	smul.u32 $0x1F40, s5;
	s9 =	simm.s32 @!p0 $0x0  }
0xa: {  	s8 =	sadd.s32 $0x1B200, s8;
	[sflag:s10] =	ssyncpa.u1 $0x0;
	s7 =	sadd.s32 s9, s7  }
0xb: {  	vm0 =	vmmov $0xffff;
	s10 =	simm.s32 $0x0;
	s11 =	smov.u32 s5;
	s9 =	sadd.s32 $0x1, s7  }
.LBB2_4:
0xc: {  	v2 =	vnsel vm1, $0x0, v2  }
0xd: {  	vm1 =	vgt.s32 v0, $0x0;
	v2 =	vmin.u32 v2, $0x4E1FF  }
0xe: {  	v0 =	vnsel vm1, $0x0, v0  }
0xf: {  	v0 =	vmin.u32 v0, $0x4E1FF  }
0x10: {  	[tilespmem:s18], [sflag:$0x1] =	stream.indirect_vreg.gather [hbm4b:s2+s10], $0x1, v1, vm0, $0x4038;
	[tilespmem:$0x7D00] =	vst v63  }
0x11: {  	(ifvalue) =	ssetifvalue $0x7FFFFFFF  }
0x12: {  	[tilespmem:s15], [sflag:$0x1] =	stream.indirect_vreg.gather [hbm4b:s2+s10], $0x1, v2, vm0, $0x4038;
	[tilespmem:$0x7D00] =	vst v63  }
0x13: {  	s29 =	sadd.s32 $0x10, s15;
	(ifvalue) =	ssetifvalue $0x7FFFFFFF  }
0x14: {  	[tilespmem:s29], [sflag:$0x1] =	stream.indirect_vreg.gather [hbm4b:s2+s10], $0x1, v0, vm0, $0x4038;
	[tilespmem:$0x7D00] =	vst v63  }
0x15: {  	_ =	swait.ge [sflag:s4], $0x1F40  }
0x16: {  	s30 =	sshrl.u32 s13, $0x3;
	[sflag:s4] =	ssyncset.done $0x0  }
0x17: {  	s31 =	sand.u32 $0x7, s13;
	s15 =	sadd.s32 s8, s30;
	[sflag:s4] =	ssyncadd.s32 $0xFFFFE0C0  }
0x18: {  	[hbm4b:s15+s31] =	stream.linear.scatter [tilespmem:s14], [sflag:$0x3], $0x1F40, $0x38;
	[tilespmem:$0x7D00] =	vst v63  }
.LBB2_5:
0x19: {  	s15 =	sadd.s32 $0x3E800, s11  }
0x1a: {  	p1 =	sgt.s32 s15, $0x4E1FF  }
0x1b: {  	s15 =	smov.u32 @p1 s5;
	p1 =	sne.s32 s12, s9  }
.Ltmp1:
0x1c: {  	p0 =	slt.u32 s12, $0x2;
	(pc) =	sbr.rel @!p1 .LBB2_6-.Ltmp1, $4  }
0x1d: {  	s14 =	simm.s32 @!p0 $0x3  }
0x1e: {  	_ =	swait.ge @!p0 [sflag:s14], $0x1F40  }
0x1f: {  	s16 =	sadd.s32 $0x1, s12;
	s13 =	smov.u32 s11;
	[sflag:s14] =	ssyncset.done @!p0 $0x0  }
0x20: {  	s12 =	smov.u32 s16;
	s11 =	smov.u32 s15;
	[sflag:s14] =	ssyncadd.s32 @!p0 $0xFFFFE0C0  }
.LBB2_1:
0x21: {  	p0 =	sge.u32 s12, s7  }
0x22: {  	s14 =	sxor.u32 @!p0 $0x1, s12  }
0x23: {  	s14 =	smul.u32 @!p0 $0x7D00, s14  }
0x24: {  	s31 =	sadd.s32 $0xFFFFFFFF, s12;
	s15 =	sshrl.u32 @!p0 s11, $0x3  }
0x25: {  	s16 =	sand.u32 @!p0 $0x7, s11;
	s15 =	sadd.s32 @!p0 s3, s15;
	s14 =	sshra.s32 @!p0 s14, $0x2  }
0x26: {  	[tilespmem:s14], [sflag:$0x2] =	stream.linear.gather @!p0 [hbm4b:s15+s16], $0x1F40, $0x38;
	[tilespmem:$0x7D00] =	vst v63  }
0x27: {  	p0 =	sge.u32 s31, s7  }
.Ltmp2:
0x28: {  	_ = 	snop;
	(pc) =	sbr.rel @p0 .LBB2_5-.Ltmp2, $1  }
0x29: {  	_ =	sdelay $0x3  }
0x2a: {  	s14 =	sand.u32 $0x1, s12  }
0x2b: {  	_ =	swait.ge [sflag:s6], $0x1F40;
	p0 =	seq.s32 s14, $0x1;
	s14 =	simm.s32 $0x1F40  }
0x2c: {  	[sflag:s6] =	ssyncset.done $0x0;
	s14 =	simm.s32 @!p0 $0x0  }
0x2d: {  	[sflag:s6] =	ssyncadd.s32 $0xFFFFE0C0;
	(ifvalue) =	ssetifvalue $0x7FFFFFFF;
	v0 =	vld.msk [tilespmem:s14+$0x0 ss:$0x1], $0xffff;
	_ =	sdelay $0x4  }
0x2e: {  	s15 =	sadd.s32 $0x10, s14;
	vm1 =	vgt.s32 v0, $0x0  }
0x2f: {  	v2 =	vld.msk [tilespmem:s15+$0x0 ss:$0x1], $0xffff;
	v1 =	vnsel vm1, $0x0, v0  }
0x30: {  	v1 =	vmin.u32 v1, $0x4E1FF;
	_ =	sdelay $0x2  }
0x31: {  	s17 =	simm.s32 $0x20;
	s14 =	sadd.s32 $0x3E80, s14;
	s16 =	sadd.s32 $0x10, s15  }
0x32: {  	s15 =	sadd.s32 $0x10, s14;
	s18 =	smov.u32 s14;
	v0 =	vld.msk [tilespmem:s16+$0x0 ss:$0x1], $0xffff;
	vm1 =	vgt.s32 v2, $0x0;
	(ifvalue) =	ssetifvalue $0x7FFFFFFF  }
.LBB2_3:
0x33: {  	[tilespmem:s18], [sflag:$0x1] =	stream.indirect_vreg.gather [hbm4b:s2+s10], $0x1, v1, vm0, $0x4038;
	[tilespmem:$0x7D00] =	vst v63  }
0x34: {  	s17 =	sadd.s32 $0x10, s17  }
0x35: {  	v2 =	vnsel vm1, $0x0, v2;
	p0 =	slt.u32 s17, $0x1F30  }
.Ltmp3:
0x36: {  	s18 =	smov.u32 s15;
	v1 =	vmin.u32 v2, $0x4E1FF;
	(pc) =	sbr.rel @p0 .LBB2_3-.Ltmp3, $3  }
0x37: {  	_ =	sdelay $0x1  }
0x38: {  	s16 =	sadd.s32 $0x10, s16  }
0x39: {  	vm1 =	vgt.s32 v0, $0x0;
	s15 =	sadd.s32 $0x10, s15;
	v2 =	vmov v0;
	(ifvalue) =	ssetifvalue $0x7FFFFFFF;
	v0 =	vld.msk [tilespmem:s16+$0x0 ss:$0x1], $0xffff  }
.Ltmp4:
0x3a: {  	_ = 	snop;
	(pc) =	sbr.rel .LBB2_4-.Ltmp4, $1  }
0x3b: {  	_ =	sdelay $0x3  }
.LBB2_6:
0x3c: {  	_ =	sfence.sel $0x180000  }
0x3d: {  	s2 =	simm.s32 $0x2;
	[bflag:$0x0] =	sbarrier.arrive $0xFFFF  }
0x3e: {  	s30 =	simm.s32 $0x3;
	[sflag:s2] =	ssyncpa.u1 $0x1  }
0x3f: {  	s31 =	simm.s32 $0x1;
	[sflag:s30] =	ssyncpa.u1 $0x1  }
0x40: {  	[sflag:s31] =	ssyncpa.u1 $0x1  }
0x41: {  	p0 =	sne.s32 s1, $0x0;
	_ =	strace $0x90000047  }
0x42: {  	s0 =	sadd.s32 @!p0 $0x100000, s0;
	[bflag:$0x2] =	sbarrier.arrive $0xFFFF  }
0x43: {  	[sflag:s0] =	ssyncadd.tile.s32 @!p0 $0x1;
	_ =	shalt  }
.Lfunc_end2:
_tile_overlayer_lowered:
.L_overlay_start_2:
0x44: {  	(tag) =	ssettag $0x2  }
0x45: {  	s0 =	rddreg [dreg:$0x0];
	s2 =	stileid.u32  }
0x46: {  	s1 =	rddreg [dreg:$0x1];
	p0 =	sne.s32 s2, $0x0  }
0x47: {  	s3 =	rddreg [dreg:$0x2];
	[bflag:$0x3] =	sbarrier.arrive $0xFFFF;
	s2 =	simm.s32 @!p0 $0x1C01  }
0x48: {  	[timem:s3], [sflag:s2] =	dma.local @!p0 [hbm:s0], s1  }
0x49: {  	s0 =	simm.s32 @!p0 $0x1  }
0x4a: {  	_ =	swait.ge @!p0 [sflag:s0], s1  }
0x4b: {  	s1 =	ssub.s32 @!p0 $0x0, s1;
	[sflag:s0] =	ssyncset.done @!p0 $0x0  }
0x4c: {  	[sflag:s0] =	ssyncadd.s32 @!p0 s1  }
0x4d: {  	[bflag:$0x3] =	sbarrier.arrive $0xFFFF  }
0x4e: {  	_ =	shalt  }

// kernel: gather_offload_async_start
scs
__scs_entry_jumppad:
0x0: {  	(pc) =	sbr.rel $0x88, $3  }
0x1: {  	(tag) =	ssettag $0x0;
	lr =	simm.s32 $0x1  }
0x2: {  	[smem:$0x3F87] =	sst lr;
	_ =	strace $0xD0000000  }
0x3: {  	_ = 	snop  }
0x4: {  	_ = 	snop  }
0x5: {  	_ = 	snop  }
0x6: {  	_ = 	snop  }
0x7: {  	_ = 	snop  }
__scs_overlays_trampoline_lowered:
0x8: {  	[smem:$0x3F96] =	sst s0  }
0x9: {  	[smem:$0x3F97] =	sst s1  }
0xa: {  	[smem:$0x3F98] =	sst s2  }
0xb: {  	[smem:$0x3F99] =	sst s3  }
0xc: {  	[smem:$0x3F9A] =	sst s4  }
0xd: {  	[smem:$0x3F9B] =	sst s5  }
0xe: {  	[smem:$0x3F9C] =	sst s6  }
0xf: {  	[smem:$0x3F9D] =	sst s7  }
0x10: {  	[smem:$0x3F9E] =	sst s8  }
0x11: {  	[smem:$0x3F9F] =	sst s9;
	s0 =	simm.s32 @!p0 $0x0  }
0x12: {  	s1 =	sld [smem:$0x3F85];
	s0 =	simm.s32 @p0 $0x1  }
0x13: {  	[smem:$0x3FA0] =	sst s0;
	s0 =	simm.s32 @!p1 $0x0  }
0x14: {  	s2 =	sld [smem:$0x3F84];
	s0 =	simm.s32 @p1 $0x1  }
0x15: {  	[smem:$0x3FA1] =	sst s0;
	s0 =	simm.s32 @!p2 $0x0  }
0x16: {  	s3 =	sld [smem:$0x3FDB];
	s0 =	simm.s32 @p2 $0x1  }
0x17: {  	s4 =	simm.s32 $0x1BF5;
	[smem:$0x3FA3] =	sst s0  }
0x18: {  	s0 =	sld [smem:$0x3F86];
	_ =	swait.ge [sflag:s4], $0x0  }
0x19: {  	s7 =	sld [smem:$0x3F87]  }
0x1a: {  	s8 =	sadd.s32 $0xFFFFE003, lr  }
0x1b: {  	s9 =	sadd.s32 $0xFFFFFEF7, lr;
	s5 =	simm.s32 $0xFFFFFFFF;
	p2 =	slt.u32 s8, $0xFFFFF086  }
0x1c: {  	p1 =	slt.u32 s9, $0xF7A;
	s5 =	simm.s32 @!p2 $0x0  }
0x1d: {  	s5 =	simm.s32 @p1 $0x1;
	p0 =	seq.s32 s7, s2  }
0x1e: {  	s7 =	smul.u32 @!p0 $0xF7A, s2;
	p2 =	seq.s32 @!p0 s5, $0x0  }
0x1f: {  	s9 =	smul.u32 $0xF7A, s1;
	s8 =	simm.s32 @!p0 $0x1BF5;
	p2 =	por !p2, p0  }
0x20: {  	[sflag:s8] =	ssyncset.s32 @!p0 $0xFFFFF086;
	s6 =	sadd.s32 @!p0 s3, s7;
	s7 =	simm.s32 @!p0 $0x108  }
0x21: {  	s3 =	sadd.s32 s3, s9;
	s6 =	sadd.s32 @!p0 $0x88, s6;
	s7 =	simm.s32 @p2 $0x1082  }
0x22: {  	[simem:s7], [sflag:s8] =	dma.local @!p0 [hbm:s6], $0xF7A  }
0x23: {  	s9 =	sor.u32 $0xD0000000, s2;
	s6 =	simm.s32 $0x108;
	_ =	swait.ge @!p0 [sflag:s8], $0x0  }
0x24: {  	s3 =	sadd.s32 $0x88, s3;
	s6 =	simm.s32 @!p1 $0x1082;
	[sflag:s4] =	ssyncset.s32 $0xFFFFF086  }
0x25: {  	[simem:s6], [sflag:s4] =	dma.local [hbm:s3], $0xF7A  }
0x26: {  	[smem:$0x3F87] =	sst s1;
	(tag) =	ssettag s2;
	_ =	strace s9  }
0x27: {  	s1 =	sld [smem:$0x3F97]  }
0x28: {  	s2 =	sld [smem:$0x3F98]  }
0x29: {  	s4 =	sld [smem:$0x3F9A]  }
0x2a: {  	p0 =	seq.s32 s5, $0x0;
	s5 =	sld [smem:$0x3F9B]  }
0x2b: {  	s6 =	sld [smem:$0x3F9C]  }
0x2c: {  	s7 =	sld [smem:$0x3F9D]  }
0x2d: {  	s3 =	simm.s32 $0x108;
	s8 =	sld [smem:$0x3F9E]  }
0x2e: {  	s3 =	simm.s32 @!p0 $0x1082;
	s9 =	sld [smem:$0x3F9F]  }
0x2f: {  	lr =	sadd.s32 s0, s3;
	s0 =	sld [smem:$0x3F96]  }
0x30: {  	s3 =	sld [smem:$0x3F99]  }
0x31: {  	[smem:$0x3FA2] =	sst s10  }
0x32: {  	s10 =	sld [smem:$0x3FA0];
	_ =	sdelay $0x3  }
0x33: {  	p0 =	seq.s32 s10, $0x1;
	s10 =	sld [smem:$0x3FA2];
	_ =	sdelay $0x3  }
0x34: {  	[smem:$0x3FA2] =	sst s10  }
0x35: {  	s10 =	sld [smem:$0x3FA1];
	_ =	sdelay $0x3  }
0x36: {  	p1 =	seq.s32 s10, $0x1;
	s10 =	sld [smem:$0x3FA2];
	_ =	sdelay $0x3  }
0x37: {  	[smem:$0x3FA2] =	sst s10  }
0x38: {  	s10 =	sld [smem:$0x3FA3]  }
0x39: {  	_ = 	snop;
	(pc) =	sbr.ind lr, $3  }
0x3a: {  	_ = 	snop  }
0x3b: {  	_ = 	snop  }
0x3c: {  	p2 =	seq.s32 s10, $0x1;
	s10 =	sld [smem:$0x3FA2]  }
0x3d: {  	_ =	shalt  }
0x3e: {  	_ =	shalt  }
0x3f: {  	_ =	shalt  }
0x40: {  	_ =	shalt  }
0x41: {  	_ =	shalt  }
0x42: {  	_ =	shalt  }
0x43: {  	_ =	shalt  }
0x44: {  	_ =	shalt  }
0x45: {  	_ =	shalt  }
0x46: {  	_ =	shalt  }
0x47: {  	_ =	shalt  }
0x48: {  	_ =	shalt  }
0x49: {  	_ =	shalt  }
0x4a: {  	_ =	shalt  }
0x4b: {  	_ =	shalt  }
0x4c: {  	_ =	shalt  }
0x4d: {  	_ =	shalt  }
0x4e: {  	_ =	shalt  }
0x4f: {  	_ =	shalt  }
0x50: {  	_ =	shalt  }
0x51: {  	_ =	shalt  }
0x52: {  	_ =	shalt  }
0x53: {  	_ =	shalt  }
0x54: {  	_ =	shalt  }
0x55: {  	_ =	shalt  }
0x56: {  	_ =	shalt  }
0x57: {  	_ =	shalt  }
0x58: {  	_ =	shalt  }
0x59: {  	_ =	shalt  }
0x5a: {  	_ =	shalt  }
0x5b: {  	_ =	shalt  }
0x5c: {  	_ =	shalt  }
0x5d: {  	_ =	shalt  }
0x5e: {  	_ =	shalt  }
0x5f: {  	_ =	shalt  }
0x60: {  	_ =	shalt  }
0x61: {  	_ =	shalt  }
0x62: {  	_ =	shalt  }
0x63: {  	_ =	shalt  }
0x64: {  	_ =	shalt  }
0x65: {  	_ =	shalt  }
0x66: {  	_ =	shalt  }
0x67: {  	_ =	shalt  }
0x68: {  	_ =	shalt  }
0x69: {  	_ =	shalt  }
0x6a: {  	_ =	shalt  }
0x6b: {  	_ =	shalt  }
0x6c: {  	_ =	shalt  }
0x6d: {  	_ =	shalt  }
0x6e: {  	_ =	shalt  }
0x6f: {  	_ =	shalt  }
0x70: {  	_ =	shalt  }
0x71: {  	_ =	shalt  }
0x72: {  	_ =	shalt  }
0x73: {  	_ =	shalt  }
0x74: {  	_ =	shalt  }
0x75: {  	_ =	shalt  }
0x76: {  	_ =	shalt  }
0x77: {  	_ =	shalt  }
0x78: {  	_ =	shalt  }
0x79: {  	_ =	shalt  }
0x7a: {  	_ =	shalt  }
0x7b: {  	_ =	shalt  }
0x7c: {  	_ =	shalt  }
0x7d: {  	_ =	shalt  }
0x7e: {  	_ =	shalt  }
0x7f: {  	_ =	shalt  }
0x80: {  	_ =	shalt  }
0x81: {  	_ =	shalt  }
0x82: {  	_ =	shalt  }
0x83: {  	_ =	shalt  }
0x84: {  	_ =	shalt  }
0x85: {  	_ =	shalt  }
0x86: {  	_ =	shalt  }
0x87: {  	_ =	shalt  }
.Lfunc_end0:
.L_simem_size_0:
called_computation_lowered:
.L_overlay_start_0:
0x88: {  	s2 =	sld [smem:$0x3FD9]  }
0x89: {  	s3 =	sld [smem:$0x3FFE];
	_ =	sdelay $0x1  }
0x8a: {  	s1 =	srdreg.scid  }
0x8b: {  	s0 =	sand.u32 $0x1, s1  }
0x8c: {  	s17 =	sshll.u32 s0, $0xA;
	s2 =	sadd.s32 s3, s2  }
0x8d: {  	s2 =	sadd.s32 s2, s17  }
0x8e: {  	[smem:$0x3FAE] =	sst s2  }
0x8f: {  	_ = 	snop  }
0x90: {  	s2 =	sld [smem:$0x3FD0];
	(tm) =	ssettm $0x1  }
0x91: {  	s18 =	sld [smem:$0x3FFB];
	_ =	sdelay $0x3  }
0x92: {  	_ =	strace s18  }
0x93: {  	s3 =	sld [smem:$0x3FFC];
	_ =	sdelay $0x3  }
0x94: {  	_ =	strace s3  }
0x95: {  	s3 =	sld [smem:$0x3FFD];
	_ =	sdelay $0x3  }
0x96: {  	_ =	strace s3  }
0x97: {  	_ =	strace $0x8FFFFFFF  }
0x98: {  	s19 =	sld [smem:$0x3FDB];
	_ =	sdelay $0x1  }
0x99: {  	s4 =	simm.s32 $_scs_section_size  }
0x9a: {  	s5 =	simm.s32 $_size__tile_overlayer_lowered;
	s6 =	simm.s32 $_tile_overlayer_lowered  }
0x9b: {  	s22 =	simm.s32 $0x1BFF;
	s21 =	sshll.u32 s6, $0x1;
	s3 =	sadd.s32 s4, s19  }
0x9c: {  	s7 =	simm.s32 $0x0;
	s20 =	sshll.u32 s5, $0x1;
	s5 =	sadd.s32 s21, s3  }
0x9d: {  	[timem:s7], [sflag:s22] =	dma.local [hbm:s5], s20  }
0x9e: {  	_ =	swait.ge [sflag:s22], s20  }
0x9f: {  	s4 =	ssub.s32 $0x0, s20;
	[sflag:s22] =	ssyncset.done $0x0  }
0xa0: {  	[sflag:s22] =	ssyncadd.s32 s4;
	_ =	sdelay $0x1  }
0xa1: {  	s23 =	simm.s32 $0x1B8B  }
0xa2: {  	_ =	swait.ge [sflag:s23], $0x1  }
0xa3: {  	[sflag:s23] =	ssyncset.done $0x0  }
0xa4: {  	s25 =	simm.s32 $0x1B8E;
	s24 =	sld [smem:$0x3FFE];
	[sflag:s23] =	ssyncadd.s32 $0xFFFFFFFF  }
0xa5: {  	s26 =	simm.s32 $execute0_lowered;
	[smem:$0x3FD2] =	sst s25  }
0xa6: {  	s5 =	sshll.u32 s26, $0x1;
	_ =	strace $0x80000049;
	[dreg:$0x1] =	wrdreg $0xFFFFFFFF  }
0xa7: {  	s28 =	simm.s32 $_size_execute0_lowered;
	s3 =	sadd.s32 s3, s5;
	[dreg:$0x0] =	wrdreg $0x0  }
0xa8: {  	s5 =	sshll.u32 s28, $0x1;
	[dreg:$0x2] =	wrdreg s3  }
0xa9: {  	[dreg:$0x3] =	wrdreg s5  }
0xaa: {  	[dreg:$0x4] =	wrdreg $0xC0  }
0xab: {  	_ =	task [dreg:s7], $0x5FFFF  }
0xac: {  	[dreg:$0x1] =	wrdreg $0xFFFFFFFF  }
0xad: {  	[dreg:$0x0] =	wrdreg $0x60  }
0xae: {  	[dreg:$0x2] =	wrdreg s2  }
0xaf: {  	[dreg:$0x3] =	wrdreg s24  }
0xb0: {  	[dreg:$0x4] =	wrdreg $0x9  }
0xb1: {  	_ =	task.clear_ibuf [dreg:s7], $0x5FFFF;
	_ =	strace $0x90000049  }
0xb2: {  	s29 =	simm.s32 $0x9;
	_ =	strace $0x8000004B  }
0xb3: {  	_ =	swait.ge [sflag:s29], $0x1  }
0xb4: {  	[sflag:s29] =	ssyncadd.s32 $0xFFFFFFFF  }
0xb5: {  	_ =	strace $0x9000004B  }
0xb6: {  	_ =	sfence  }
0xb7: {  	s30 =	sld [smem:$0x0];
	_ =	sdelay $0x2  }
0xb8: {  	s31 =	sshll.u32 s1, $0xD;
	s1 =	sshrl.u32 s1, $0x2  }
0xb9: {  	s3 =	sand.u32 $0x4000, s31;
	s1 =	sadd.s32 s1, s30  }
0xba: {  	s0 =	sor.u32 s3, s0;
	s1 =	sshll.u32 s1, $0x11  }
0xbb: {  	s0 =	sor.u32 s1, s0  }
0xbc: {  	s0 =	sadd.s32 $0x8F2B, s0  }
0xbd: {  	[sflag:s0] =	ssyncadd.remote.s32 $0x1  }
0xbe: {  	_ =	sfence.sel $0xFFFF  }
0xbf: {  	[dreg:$0x0] =	wrdreg $0xFFFFFFFF;
	(pc) =	sbr.abs _section_cstart, $3  }
0xc0: {  	[dreg:$0x1] =	wrdreg $0xFFFFFFFF  }
0xc1: {  	_ =	task.clear_ibuf [dreg:s7], $0x2FFFF;
	_ =	strace $0x9FFFFFFF  }
0xc2: {  	(tm) =	ssettm $0x7FFFFFFF  }
0xc3: {  	_ =	shalt  }
tec
execute0_lowered:
.L_overlay_start_1:
0x0: {  	(tag) =	ssettag $0x1  }
0x1: {  	s2 =	rddreg [dreg:$0x0]  }
0x2: {  	s8 =	rddreg [dreg:$0x1]  }
0x3: {  	s0 =	rddreg [dreg:$0x2];
	s1 =	stileid.u32  }
0x4: {  	s3 =	srdreg.scid;
	_ =	strace $0x8000004A;
	s4 =	simm.s32 $0x1  }
0x5: {  	s7 =	simm.s32 $0x1;
	s9 =	simm.s32 $0x1;
	s10 =	simm.s32 $0x3  }
0x6: {  	s13 =	simm.s32 $0x0;
	s5 =	sand.u32 $0x1, s3;
	s6 =	sshll.u32 s1, $0x1  }
0x7: {  	s12 =	simm.s32 $0x0;
	s3 =	sadd.s32 $0x11400, s8;
	s5 =	sor.u32 s6, s5  }
.Ltmp0:
0x8: {  	[sflag:s4] =	ssyncpa.u1 $0x0;
	p0 =	slt.u32 s5, $0x9;
	(pc) =	sbr.rel .LBB2_1-.Ltmp0, $4  }
0x9: {  	s6 =	simm.s32 $0x2;
	s7 =	simm.s32 @!p0 $0x0;
	p0 =	sne.s32 s5, $0x8  }
0xa: {  	[sflag:s6] =	ssyncpa.u1 $0x0;
	s5 =	smul.u32 $0x1F40, s5;
	s9 =	simm.s32 @!p0 $0x0  }
0xb: {  	s8 =	sadd.s32 $0x2B800, s8;
	[sflag:s10] =	ssyncpa.u1 $0x0;
	s7 =	sadd.s32 s9, s7  }
0xc: {  	vm0 =	vmmov $0xffff;
	s10 =	simm.s32 $0x0;
	s11 =	smov.u32 s5;
	s9 =	sadd.s32 $0x1, s7  }
.LBB2_4:
0xd: {  	v2 =	vnsel vm1, $0x0, v2  }
0xe: {  	vm1 =	vgt.s32 v0, $0x0;
	v2 =	vmin.u32 v2, $0x4E1FF  }
0xf: {  	v0 =	vnsel vm1, $0x0, v0  }
0x10: {  	v0 =	vmin.u32 v0, $0x4E1FF  }
0x11: {  	[tilespmem:s18], [sflag:$0x1] =	stream.indirect_vreg.gather [hbm4b:s2+s10], $0x1, v1, vm0, $0x4038;
	[tilespmem:$0x7D00] =	vst v63  }
0x12: {  	(ifvalue) =	ssetifvalue $0x7FFFFFFF  }
0x13: {  	[tilespmem:s15], [sflag:$0x1] =	stream.indirect_vreg.gather [hbm4b:s2+s10], $0x1, v2, vm0, $0x4038;
	[tilespmem:$0x7D00] =	vst v63  }
0x14: {  	s29 =	sadd.s32 $0x10, s15;
	(ifvalue) =	ssetifvalue $0x7FFFFFFF  }
0x15: {  	[tilespmem:s29], [sflag:$0x1] =	stream.indirect_vreg.gather [hbm4b:s2+s10], $0x1, v0, vm0, $0x4038;
	[tilespmem:$0x7D00] =	vst v63  }
0x16: {  	_ =	swait.ge [sflag:s4], $0x1F40  }
0x17: {  	s30 =	sshrl.u32 s13, $0x3;
	[sflag:s4] =	ssyncset.done $0x0  }
0x18: {  	s31 =	sand.u32 $0x7, s13;
	s15 =	sadd.s32 s8, s30;
	[sflag:s4] =	ssyncadd.s32 $0xFFFFE0C0  }
0x19: {  	[hbm4b:s15+s31] =	stream.linear.scatter [tilespmem:s14], [sflag:$0x3], $0x1F40, $0x38;
	[tilespmem:$0x7D00] =	vst v63  }
.LBB2_5:
0x1a: {  	s15 =	sadd.s32 $0x3E800, s11  }
0x1b: {  	p1 =	sgt.s32 s15, $0x4E1FF  }
0x1c: {  	s15 =	smov.u32 @p1 s5;
	p1 =	sne.s32 s12, s9  }
.Ltmp1:
0x1d: {  	p0 =	slt.u32 s12, $0x2;
	(pc) =	sbr.rel @!p1 .LBB2_6-.Ltmp1, $4  }
0x1e: {  	s14 =	simm.s32 @!p0 $0x3  }
0x1f: {  	_ =	swait.ge @!p0 [sflag:s14], $0x1F40  }
0x20: {  	s16 =	sadd.s32 $0x1, s12;
	s13 =	smov.u32 s11;
	[sflag:s14] =	ssyncset.done @!p0 $0x0  }
0x21: {  	s12 =	smov.u32 s16;
	s11 =	smov.u32 s15;
	[sflag:s14] =	ssyncadd.s32 @!p0 $0xFFFFE0C0  }
.LBB2_1:
0x22: {  	p0 =	sge.u32 s12, s7  }
0x23: {  	s14 =	sxor.u32 @!p0 $0x1, s12  }
0x24: {  	s14 =	smul.u32 @!p0 $0x7D00, s14  }
0x25: {  	s31 =	sadd.s32 $0xFFFFFFFF, s12;
	s15 =	sshrl.u32 @!p0 s11, $0x3  }
0x26: {  	s16 =	sand.u32 @!p0 $0x7, s11;
	s15 =	sadd.s32 @!p0 s3, s15;
	s14 =	sshra.s32 @!p0 s14, $0x2  }
0x27: {  	[tilespmem:s14], [sflag:$0x2] =	stream.linear.gather @!p0 [hbm4b:s15+s16], $0x1F40, $0x38;
	[tilespmem:$0x7D00] =	vst v63  }
0x28: {  	p0 =	sge.u32 s31, s7  }
.Ltmp2:
0x29: {  	_ = 	snop;
	(pc) =	sbr.rel @p0 .LBB2_5-.Ltmp2, $1  }
0x2a: {  	_ =	sdelay $0x3  }
0x2b: {  	s14 =	sand.u32 $0x1, s12  }
0x2c: {  	_ =	swait.ge [sflag:s6], $0x1F40;
	p0 =	seq.s32 s14, $0x1;
	s14 =	simm.s32 $0x1F40  }
0x2d: {  	[sflag:s6] =	ssyncset.done $0x0;
	s14 =	simm.s32 @!p0 $0x0  }
0x2e: {  	[sflag:s6] =	ssyncadd.s32 $0xFFFFE0C0;
	(ifvalue) =	ssetifvalue $0x7FFFFFFF;
	v0 =	vld.msk [tilespmem:s14+$0x0 ss:$0x1], $0xffff;
	_ =	sdelay $0x4  }
0x2f: {  	s15 =	sadd.s32 $0x10, s14;
	vm1 =	vgt.s32 v0, $0x0  }
0x30: {  	v2 =	vld.msk [tilespmem:s15+$0x0 ss:$0x1], $0xffff;
	v1 =	vnsel vm1, $0x0, v0  }
0x31: {  	v1 =	vmin.u32 v1, $0x4E1FF;
	_ =	sdelay $0x2  }
0x32: {  	s17 =	simm.s32 $0x20;
	s14 =	sadd.s32 $0x3E80, s14;
	s16 =	sadd.s32 $0x10, s15  }
0x33: {  	s15 =	sadd.s32 $0x10, s14;
	s18 =	smov.u32 s14;
	v0 =	vld.msk [tilespmem:s16+$0x0 ss:$0x1], $0xffff;
	vm1 =	vgt.s32 v2, $0x0;
	(ifvalue) =	ssetifvalue $0x7FFFFFFF  }
.LBB2_3:
0x34: {  	[tilespmem:s18], [sflag:$0x1] =	stream.indirect_vreg.gather [hbm4b:s2+s10], $0x1, v1, vm0, $0x4038;
	[tilespmem:$0x7D00] =	vst v63  }
0x35: {  	s17 =	sadd.s32 $0x10, s17  }
0x36: {  	v2 =	vnsel vm1, $0x0, v2;
	p0 =	slt.u32 s17, $0x1F30  }
.Ltmp3:
0x37: {  	s18 =	smov.u32 s15;
	v1 =	vmin.u32 v2, $0x4E1FF;
	(pc) =	sbr.rel @p0 .LBB2_3-.Ltmp3, $3  }
0x38: {  	_ =	sdelay $0x1  }
0x39: {  	s16 =	sadd.s32 $0x10, s16  }
0x3a: {  	vm1 =	vgt.s32 v0, $0x0;
	s15 =	sadd.s32 $0x10, s15;
	v2 =	vmov v0;
	(ifvalue) =	ssetifvalue $0x7FFFFFFF;
	v0 =	vld.msk [tilespmem:s16+$0x0 ss:$0x1], $0xffff  }
.Ltmp4:
0x3b: {  	_ = 	snop;
	(pc) =	sbr.rel .LBB2_4-.Ltmp4, $1  }
0x3c: {  	_ =	sdelay $0x3  }
.LBB2_6:
0x3d: {  	_ =	sfence.sel $0x180000  }
0x3e: {  	s2 =	simm.s32 $0x2;
	[bflag:$0x0] =	sbarrier.arrive $0xFFFF  }
0x3f: {  	s30 =	simm.s32 $0x3;
	[sflag:s2] =	ssyncpa.u1 $0x1  }
0x40: {  	s31 =	simm.s32 $0x1;
	[sflag:s30] =	ssyncpa.u1 $0x1  }
0x41: {  	[sflag:s31] =	ssyncpa.u1 $0x1  }
0x42: {  	p0 =	sne.s32 s1, $0x0;
	_ =	strace $0x9000004A  }
0x43: {  	s0 =	sadd.s32 @!p0 $0x100000, s0;
	[bflag:$0x2] =	sbarrier.arrive $0xFFFF  }
0x44: {  	[sflag:s0] =	ssyncadd.tile.s32 @!p0 $0x1;
	_ =	shalt  }
.Lfunc_end2:
_tile_overlayer_lowered:
.L_overlay_start_2:
0x45: {  	(tag) =	ssettag $0x2  }
0x46: {  	s0 =	rddreg [dreg:$0x0];
	s2 =	stileid.u32  }
0x47: {  	s1 =	rddreg [dreg:$0x1];
	p0 =	sne.s32 s2, $0x0  }
0x48: {  	s3 =	rddreg [dreg:$0x2];
	[bflag:$0x3] =	sbarrier.arrive $0xFFFF;
	s2 =	simm.s32 @!p0 $0x1C01  }
0x49: {  	[timem:s3], [sflag:s2] =	dma.local @!p0 [hbm:s0], s1  }
0x4a: {  	s0 =	simm.s32 @!p0 $0x1  }
0x4b: {  	_ =	swait.ge @!p0 [sflag:s0], s1  }
0x4c: {  	s1 =	ssub.s32 @!p0 $0x0, s1;
	[sflag:s0] =	ssyncset.done @!p0 $0x0  }
0x4d: {  	[sflag:s0] =	ssyncadd.s32 @!p0 s1  }
0x4e: {  	[bflag:$0x3] =	sbarrier.arrive $0xFFFF  }
0x4f: {  	_ =	shalt  }

// kernel: kernel.14.cloned.1.call-start
scs
__scs_entry_jumppad:
0x0: {  	(pc) =	sbr.rel $0x88, $3  }
0x1: {  	(tag) =	ssettag $0x0;
	lr =	simm.s32 $0x1  }
0x2: {  	[smem:$0x3F87] =	sst lr;
	_ =	strace $0xD0000000  }
0x3: {  	_ = 	snop  }
0x4: {  	_ = 	snop  }
0x5: {  	_ = 	snop  }
0x6: {  	_ = 	snop  }
0x7: {  	_ = 	snop  }
__scs_overlays_trampoline_lowered:
0x8: {  	[smem:$0x3F96] =	sst s0  }
0x9: {  	[smem:$0x3F97] =	sst s1  }
0xa: {  	[smem:$0x3F98] =	sst s2  }
0xb: {  	[smem:$0x3F99] =	sst s3  }
0xc: {  	[smem:$0x3F9A] =	sst s4  }
0xd: {  	[smem:$0x3F9B] =	sst s5  }
0xe: {  	[smem:$0x3F9C] =	sst s6  }
0xf: {  	[smem:$0x3F9D] =	sst s7  }
0x10: {  	[smem:$0x3F9E] =	sst s8  }
0x11: {  	[smem:$0x3F9F] =	sst s9;
	s0 =	simm.s32 @!p0 $0x0  }
0x12: {  	s1 =	sld [smem:$0x3F85];
	s0 =	simm.s32 @p0 $0x1  }
0x13: {  	[smem:$0x3FA0] =	sst s0;
	s0 =	simm.s32 @!p1 $0x0  }
0x14: {  	s2 =	sld [smem:$0x3F84];
	s0 =	simm.s32 @p1 $0x1  }
0x15: {  	[smem:$0x3FA1] =	sst s0;
	s0 =	simm.s32 @!p2 $0x0  }
0x16: {  	s3 =	sld [smem:$0x3FDB];
	s0 =	simm.s32 @p2 $0x1  }
0x17: {  	s4 =	simm.s32 $0x1BF5;
	[smem:$0x3FA3] =	sst s0  }
0x18: {  	s0 =	sld [smem:$0x3F86];
	_ =	swait.ge [sflag:s4], $0x0  }
0x19: {  	s7 =	sld [smem:$0x3F87]  }
0x1a: {  	s8 =	sadd.s32 $0xFFFFE003, lr  }
0x1b: {  	s9 =	sadd.s32 $0xFFFFFEF7, lr;
	s5 =	simm.s32 $0xFFFFFFFF;
	p2 =	slt.u32 s8, $0xFFFFF086  }
0x1c: {  	p1 =	slt.u32 s9, $0xF7A;
	s5 =	simm.s32 @!p2 $0x0  }
0x1d: {  	s5 =	simm.s32 @p1 $0x1;
	p0 =	seq.s32 s7, s2  }
0x1e: {  	s7 =	smul.u32 @!p0 $0xF7A, s2;
	p2 =	seq.s32 @!p0 s5, $0x0  }
0x1f: {  	s9 =	smul.u32 $0xF7A, s1;
	s8 =	simm.s32 @!p0 $0x1BF5;
	p2 =	por !p2, p0  }
0x20: {  	[sflag:s8] =	ssyncset.s32 @!p0 $0xFFFFF086;
	s6 =	sadd.s32 @!p0 s3, s7;
	s7 =	simm.s32 @!p0 $0x108  }
0x21: {  	s3 =	sadd.s32 s3, s9;
	s6 =	sadd.s32 @!p0 $0x88, s6;
	s7 =	simm.s32 @p2 $0x1082  }
0x22: {  	[simem:s7], [sflag:s8] =	dma.local @!p0 [hbm:s6], $0xF7A  }
0x23: {  	s9 =	sor.u32 $0xD0000000, s2;
	s6 =	simm.s32 $0x108;
	_ =	swait.ge @!p0 [sflag:s8], $0x0  }
0x24: {  	s3 =	sadd.s32 $0x88, s3;
	s6 =	simm.s32 @!p1 $0x1082;
	[sflag:s4] =	ssyncset.s32 $0xFFFFF086  }
0x25: {  	[simem:s6], [sflag:s4] =	dma.local [hbm:s3], $0xF7A  }
0x26: {  	[smem:$0x3F87] =	sst s1;
	(tag) =	ssettag s2;
	_ =	strace s9  }
0x27: {  	s1 =	sld [smem:$0x3F97]  }
0x28: {  	s2 =	sld [smem:$0x3F98]  }
0x29: {  	s4 =	sld [smem:$0x3F9A]  }
0x2a: {  	p0 =	seq.s32 s5, $0x0;
	s5 =	sld [smem:$0x3F9B]  }
0x2b: {  	s6 =	sld [smem:$0x3F9C]  }
0x2c: {  	s7 =	sld [smem:$0x3F9D]  }
0x2d: {  	s3 =	simm.s32 $0x108;
	s8 =	sld [smem:$0x3F9E]  }
0x2e: {  	s3 =	simm.s32 @!p0 $0x1082;
	s9 =	sld [smem:$0x3F9F]  }
0x2f: {  	lr =	sadd.s32 s0, s3;
	s0 =	sld [smem:$0x3F96]  }
0x30: {  	s3 =	sld [smem:$0x3F99]  }
0x31: {  	[smem:$0x3FA2] =	sst s10  }
0x32: {  	s10 =	sld [smem:$0x3FA0];
	_ =	sdelay $0x3  }
0x33: {  	p0 =	seq.s32 s10, $0x1;
	s10 =	sld [smem:$0x3FA2];
	_ =	sdelay $0x3  }
0x34: {  	[smem:$0x3FA2] =	sst s10  }
0x35: {  	s10 =	sld [smem:$0x3FA1];
	_ =	sdelay $0x3  }
0x36: {  	p1 =	seq.s32 s10, $0x1;
	s10 =	sld [smem:$0x3FA2];
	_ =	sdelay $0x3  }
0x37: {  	[smem:$0x3FA2] =	sst s10  }
0x38: {  	s10 =	sld [smem:$0x3FA3]  }
0x39: {  	_ = 	snop;
	(pc) =	sbr.ind lr, $3  }
0x3a: {  	_ = 	snop  }
0x3b: {  	_ = 	snop  }
0x3c: {  	p2 =	seq.s32 s10, $0x1;
	s10 =	sld [smem:$0x3FA2]  }
0x3d: {  	_ =	shalt  }
0x3e: {  	_ =	shalt  }
0x3f: {  	_ =	shalt  }
0x40: {  	_ =	shalt  }
0x41: {  	_ =	shalt  }
0x42: {  	_ =	shalt  }
0x43: {  	_ =	shalt  }
0x44: {  	_ =	shalt  }
0x45: {  	_ =	shalt  }
0x46: {  	_ =	shalt  }
0x47: {  	_ =	shalt  }
0x48: {  	_ =	shalt  }
0x49: {  	_ =	shalt  }
0x4a: {  	_ =	shalt  }
0x4b: {  	_ =	shalt  }
0x4c: {  	_ =	shalt  }
0x4d: {  	_ =	shalt  }
0x4e: {  	_ =	shalt  }
0x4f: {  	_ =	shalt  }
0x50: {  	_ =	shalt  }
0x51: {  	_ =	shalt  }
0x52: {  	_ =	shalt  }
0x53: {  	_ =	shalt  }
0x54: {  	_ =	shalt  }
0x55: {  	_ =	shalt  }
0x56: {  	_ =	shalt  }
0x57: {  	_ =	shalt  }
0x58: {  	_ =	shalt  }
0x59: {  	_ =	shalt  }
0x5a: {  	_ =	shalt  }
0x5b: {  	_ =	shalt  }
0x5c: {  	_ =	shalt  }
0x5d: {  	_ =	shalt  }
0x5e: {  	_ =	shalt  }
0x5f: {  	_ =	shalt  }
0x60: {  	_ =	shalt  }
0x61: {  	_ =	shalt  }
0x62: {  	_ =	shalt  }
0x63: {  	_ =	shalt  }
0x64: {  	_ =	shalt  }
0x65: {  	_ =	shalt  }
0x66: {  	_ =	shalt  }
0x67: {  	_ =	shalt  }
0x68: {  	_ =	shalt  }
0x69: {  	_ =	shalt  }
0x6a: {  	_ =	shalt  }
0x6b: {  	_ =	shalt  }
0x6c: {  	_ =	shalt  }
0x6d: {  	_ =	shalt  }
0x6e: {  	_ =	shalt  }
0x6f: {  	_ =	shalt  }
0x70: {  	_ =	shalt  }
0x71: {  	_ =	shalt  }
0x72: {  	_ =	shalt  }
0x73: {  	_ =	shalt  }
0x74: {  	_ =	shalt  }
0x75: {  	_ =	shalt  }
0x76: {  	_ =	shalt  }
0x77: {  	_ =	shalt  }
0x78: {  	_ =	shalt  }
0x79: {  	_ =	shalt  }
0x7a: {  	_ =	shalt  }
0x7b: {  	_ =	shalt  }
0x7c: {  	_ =	shalt  }
0x7d: {  	_ =	shalt  }
0x7e: {  	_ =	shalt  }
0x7f: {  	_ =	shalt  }
0x80: {  	_ =	shalt  }
0x81: {  	_ =	shalt  }
0x82: {  	_ =	shalt  }
0x83: {  	_ =	shalt  }
0x84: {  	_ =	shalt  }
0x85: {  	_ =	shalt  }
0x86: {  	_ =	shalt  }
0x87: {  	_ =	shalt  }
.Lfunc_end0:
.L_simem_size_0:
called_computation.2_lowered:
.L_overlay_start_0:
0x88: {  	s2 =	sld [smem:$0x3FD9]  }
0x89: {  	s3 =	sld [smem:$0x3FFE];
	_ =	sdelay $0x1  }
0x8a: {  	s1 =	srdreg.scid  }
0x8b: {  	s0 =	sand.u32 $0x1, s1  }
0x8c: {  	s17 =	sshll.u32 s0, $0xA;
	s2 =	sadd.s32 s3, s2  }
0x8d: {  	s2 =	sadd.s32 s2, s17  }
0x8e: {  	[smem:$0x3FAE] =	sst s2  }
0x8f: {  	_ = 	snop  }
0x90: {  	s2 =	sld [smem:$0x3FC9]  }
0x91: {  	s18 =	sld [smem:$0x3FD0];
	(tm) =	ssettm $0x1  }
0x92: {  	s4 =	sld [smem:$0x3FFB];
	_ =	sdelay $0x3  }
0x93: {  	_ =	strace s4  }
0x94: {  	s4 =	sld [smem:$0x3FFC];
	_ =	sdelay $0x3  }
0x95: {  	_ =	strace s4  }
0x96: {  	s4 =	sld [smem:$0x3FFD];
	_ =	sdelay $0x3  }
0x97: {  	_ =	strace s4  }
0x98: {  	_ =	strace $0x8FFFFFFF  }
0x99: {  	s19 =	sld [smem:$0x3FDB];
	_ =	sdelay $0x1  }
0x9a: {  	s5 =	simm.s32 $_scs_section_size  }
0x9b: {  	s6 =	simm.s32 $_size__tile_overlayer_lowered;
	s7 =	simm.s32 $_tile_overlayer_lowered  }
0x9c: {  	s22 =	simm.s32 $0x1BFF;
	s21 =	sshll.u32 s7, $0x1;
	s4 =	sadd.s32 s5, s19  }
0x9d: {  	s8 =	simm.s32 $0x0;
	s20 =	sshll.u32 s6, $0x1;
	s6 =	sadd.s32 s21, s4  }
0x9e: {  	[timem:s8], [sflag:s22] =	dma.local [hbm:s6], s20  }
0x9f: {  	_ =	swait.ge [sflag:s22], s20  }
0xa0: {  	s5 =	ssub.s32 $0x0, s20;
	[sflag:s22] =	ssyncset.done $0x0  }
0xa1: {  	[sflag:s22] =	ssyncadd.s32 s5;
	_ =	sdelay $0x1  }
0xa2: {  	s23 =	simm.s32 $0x1B8B  }
0xa3: {  	_ =	swait.ge [sflag:s23], $0x1  }
0xa4: {  	[sflag:s23] =	ssyncset.done $0x0  }
0xa5: {  	s25 =	simm.s32 $0x1B8E;
	s24 =	sld [smem:$0x3FFE];
	[sflag:s23] =	ssyncadd.s32 $0xFFFFFFFF  }
0xa6: {  	s26 =	simm.s32 $execute0_lowered;
	[smem:$0x3FD2] =	sst s25  }
0xa7: {  	s6 =	sshll.u32 s26, $0x1;
	_ =	strace $0x8000004C;
	[dreg:$0x1] =	wrdreg $0xFFFFFFFF  }
0xa8: {  	s28 =	simm.s32 $_size_execute0_lowered;
	s4 =	sadd.s32 s4, s6;
	[dreg:$0x0] =	wrdreg $0x0  }
0xa9: {  	s6 =	sshll.u32 s28, $0x1;
	[dreg:$0x2] =	wrdreg s4  }
0xaa: {  	[dreg:$0x3] =	wrdreg s6  }
0xab: {  	[dreg:$0x4] =	wrdreg $0xC0  }
0xac: {  	_ =	task [dreg:s8], $0x5FFFF  }
0xad: {  	[dreg:$0x1] =	wrdreg $0xFFFFFFFF  }
0xae: {  	[dreg:$0x0] =	wrdreg $0x60  }
0xaf: {  	[dreg:$0x2] =	wrdreg s2  }
0xb0: {  	[dreg:$0x3] =	wrdreg s18  }
0xb1: {  	[dreg:$0x4] =	wrdreg s24  }
0xb2: {  	[dreg:$0x5] =	wrdreg $0x76C00  }
0xb3: {  	[dreg:$0x6] =	wrdreg $0x9  }
0xb4: {  	_ =	task.clear_ibuf [dreg:s8], $0x7FFFF;
	_ =	strace $0x9000004C  }
0xb5: {  	s29 =	simm.s32 $0x9;
	_ =	strace $0x8000004E  }
0xb6: {  	_ =	swait.ge [sflag:s29], $0x1  }
0xb7: {  	[sflag:s29] =	ssyncadd.s32 $0xFFFFFFFF  }
0xb8: {  	_ =	strace $0x9000004E  }
0xb9: {  	_ =	sfence  }
0xba: {  	s30 =	sld [smem:$0x0];
	_ =	sdelay $0x2  }
0xbb: {  	s31 =	sshll.u32 s1, $0xD;
	s1 =	sshrl.u32 s1, $0x2  }
0xbc: {  	s3 =	sand.u32 $0x4000, s31;
	s1 =	sadd.s32 s1, s30  }
0xbd: {  	s0 =	sor.u32 s3, s0;
	s1 =	sshll.u32 s1, $0x11  }
0xbe: {  	s0 =	sor.u32 s1, s0  }
0xbf: {  	s0 =	sadd.s32 $0x8F2B, s0  }
0xc0: {  	[sflag:s0] =	ssyncadd.remote.s32 $0x1  }
0xc1: {  	_ =	sfence.sel $0xFFFF  }
0xc2: {  	[dreg:$0x0] =	wrdreg $0xFFFFFFFF;
	(pc) =	sbr.abs _section_cstart, $3  }
0xc3: {  	[dreg:$0x1] =	wrdreg $0xFFFFFFFF  }
0xc4: {  	_ =	task.clear_ibuf [dreg:s8], $0x2FFFF;
	_ =	strace $0x9FFFFFFF  }
0xc5: {  	(tm) =	ssettm $0x7FFFFFFF  }
tec
execute0_lowered:
.L_overlay_start_1:
0x0: {  	(tag) =	ssettag $0x1  }
0x1: {  	s0 =	rddreg [dreg:$0x0]  }
0x2: {  	s7 =	rddreg [dreg:$0x1]  }
0x3: {  	s6 =	rddreg [dreg:$0x2]  }
0x4: {  	s1 =	srdreg.scid;
	s2 =	rddreg [dreg:$0x3]  }
0x5: {  	s12 =	stileid.u32;
	s3 =	simm.s32 $0x0;
	s18 =	simm.s32 $0x1  }
0x6: {  	s19 =	simm.s32 $0x0;
	s5 =	sand.u32 $0x1, s1;
	s1 =	rddreg [dreg:$0x4]  }
0x7: {  	s8 =	smul.u32 $0x13800, s12;
	[smem:$0x7FF] =	sst s3;
	s14 =	sadd.s32 $0x4C200, s6  }
0x8: {  	s29 =	sshll.u32 s12, $0x6;
	s17 =	sadd.s32 $0x138000, s2;
	p0 =	sne.s32 s12, $0x0  }
0x9: {  	s4 =	sshll.u32 s5, $0x4;
	_ =	strace $0x8000004D;
	s10 =	ssub.s32 $0x2, s5  }
0xa: {  	s16 =	smul.u32 $0x138800, s5;
	s5 =	sor.u32 $0x1C02, s29;
	s4 =	sor.u32 s12, s4  }
0xb: {  	s28 =	sshrl.u32 s8, $0x3;
	s13 =	sshrl.u32 s10, $0x1;
	s15 =	sadd.s32 s8, s2  }
0xc: {  	s9 =	smul.u32 $0x4EC, s4;
	s4 =	sadd.s32 s28, s6;
	s13 =	ssub.s32 s10, s13  }
0xd: {  	s30 =	sadd.s32 s8, s16;
	s31 =	sshrl.u32 s16, $0x3;
	s12 =	sshrl.u32 s15, $0x3  }
0xe: {  	s15 =	simm.s32 $0x2760;
	s16 =	simm.s32 $0x50;
	s4 =	sadd.s32 $0x25000, s4  }
0xf: {  	s10 =	sadd.s32 s14, s31;
	s11 =	sadd.s32 s9, s6;
	s6 =	sadd.s32 $0x4C000, s6  }
0x10: {  	s7 =	sadd.s32 s7, s9;
	s9 =	sshrl.u32 s30, $0x3;
	s10 =	sadd.s32 $0x27000, s10  }
0x11: {  	s8 =	sadd.s32 $0x7600, s11;
	s9 =	sadd.s32 s14, s9;
	s11 =	smax.u32 s13, $0x1  }
0x12: {  	s13 =	simm.s32 $0x2;
	s14 =	sshrl.u32 @!p0 s17, $0x3;
	s17 =	simm.s32 $0x4EC0  }
.LBB2_1:
0x13: {  	[spmem:s12], [sflag:s5] =	dma.local [hbm:s4], $0x2700  }
0x14: {  	_ =	swait.ge [sflag:s13], $0x2700  }
0x15: {  	[sflag:s13] =	ssyncset.done $0x0  }
0x16: {  	s20 =	simm.s32 @!p0 $0x2;
	[sflag:s13] =	ssyncadd.s32 $0xFFFFD900  }
0x17: {  	[spmem:s14], [sflag:s5] =	dma.local @!p0 [hbm:s6], $0x180  }
0x18: {  	_ =	swait.ge @!p0 [sflag:s20], $0x180  }
0x19: {  	[sflag:s20] =	ssyncset.done @!p0 $0x0  }
0x1a: {  	[sflag:s20] =	ssyncadd.s32 @!p0 $0xFFFFFE80  }
0x1b: {  	[tilespmem:s3], [sflag:$0x2] =	stream.linear.gather [hbm4b:s7+s3], $0x2760, $0x38;
	[tilespmem:$0x1AF80] =	vst v63  }
0x1c: {  	_ =	swait.ge [sflag:s13], $0x2760  }
0x1d: {  	[sflag:s13] =	ssyncset.done $0x0  }
0x1e: {  	[sflag:s13] =	ssyncadd.s32 $0xFFFFD8A0  }
0x1f: {  	[tilespmem:s15], [sflag:$0x2] =	stream.linear.gather [hbm4b:s8+s3], $0x2760, $0x38;
	[tilespmem:$0x1AF80] =	vst v63  }
0x20: {  	_ =	swait.ge [sflag:s13], $0x2760  }
0x21: {  	[sflag:s13] =	ssyncset.done $0x0  }
0x22: {  	[sflag:s13] =	ssyncadd.s32 $0xFFFFD8A0  }
0x23: {  	s30 =	simm.s32 $0x0;
	[bflag:$0x0] =	sbarrier.arrive $0xFFFF  }
0x24: {  	[tilespmem:s17], [sflag:$0x1] =	stream.indirect.gather [hbm4b:s0+s16], $0x80, s30, s16, $0xb8;
	[tilespmem:$0x1AF80] =	vst v63  }
0x25: {  	_ =	swait.ge [sflag:s18], $0x2800  }
0x26: {  	[sflag:s18] =	ssyncset.done $0x0  }
0x27: {  	s31 =	simm.s32 $0x2760;
	[sflag:s18] =	ssyncadd.s32 $0xFFFFD800  }
0x28: {  	[spmem:s2] =	stream.indirect.scatter.add.f32 [tilespmem:s17], [sflag:$0x2], $0x80, s31, s16, $0xb8;
	[tilespmem:$0x1AF80] =	vst v63  }
0x29: {  	_ =	swait.ge [sflag:s13], $0x2800  }
0x2a: {  	s21 =	simm.s32 $0x280;
	s20 =	simm.s32 $0x140;
	[sflag:s13] =	ssyncset.done $0x0  }
.LBB2_2:
0x2b: {  	s22 =	sshra.s32 s20, $0x2  }
0x2c: {  	[sflag:s13] =	ssyncadd.s32 $0xFFFFD800;
	s20 =	smov.u32 s21;
	s23 =	sadd.s32 $0x140, s21  }
0x2d: {  	[tilespmem:s17], [sflag:$0x1] =	stream.indirect.gather [hbm4b:s0+s16], $0x80, s22, s16, $0xb8;
	[tilespmem:$0x1AF80] =	vst v63  }
0x2e: {  	p1 =	sne.s32 s21, $0x9C40;
	_ =	swait.ge [sflag:s18], $0x2800  }
.Ltmp0:
0x2f: {  	[sflag:s18] =	ssyncset.done $0x0;
	(pc) =	sbr.rel @p1 .LBB2_2-.Ltmp0, $4  }
0x30: {  	s21 =	sadd.s32 $0x2760, s22;
	[sflag:s18] =	ssyncadd.s32 $0xFFFFD800  }
0x31: {  	[spmem:s2] =	stream.indirect.scatter.add.f32 [tilespmem:s17], [sflag:$0x2], $0x80, s21, s16, $0xb8;
	[tilespmem:$0x1AF80] =	vst v63  }
0x32: {  	_ =	swait.ge [sflag:s13], $0x2800  }
0x33: {  	s21 =	smov.u32 s23;
	[sflag:s13] =	ssyncset.done $0x0  }
0x34: {  	s20 =	sshra.s32 s20, $0x2;
	[sflag:s13] =	ssyncadd.s32 $0xFFFFD800  }
0x35: {  	[tilespmem:s17], [sflag:$0x1] =	stream.indirect.gather [hbm4b:s0+s16], $0x80, s20, s16, $0xb8;
	[tilespmem:$0x1AF80] =	vst v63  }
0x36: {  	_ =	swait.ge [sflag:s18], $0x2800  }
0x37: {  	[sflag:s18] =	ssyncset.done $0x0  }
0x38: {  	s20 =	sadd.s32 $0x2760, s20;
	[sflag:s18] =	ssyncadd.s32 $0xFFFFD800  }
0x39: {  	[spmem:s2] =	stream.indirect.scatter.add.f32 [tilespmem:s17], [sflag:$0x2], $0x80, s20, s16, $0xb8;
	[tilespmem:$0x1AF80] =	vst v63  }
0x3a: {  	_ =	swait.ge [sflag:s13], $0x2800  }
0x3b: {  	[sflag:s13] =	ssyncset.done $0x0  }
0x3c: {  	[sflag:s13] =	ssyncadd.s32 $0xFFFFD800  }
0x3d: {  	[bflag:$0x0] =	sbarrier.arrive $0xFFFF  }
0x3e: {  	[hbm:s9], [sflag:s5] =	dma.local [spmem:s12], $0x2700  }
0x3f: {  	s19 =	sadd.s32 $0x1, s19;
	_ =	swait.ge [sflag:s13], $0x2700  }
0x40: {  	p1 =	sne.s32 s19, s11;
	[sflag:s13] =	ssyncset.done $0x0  }
.Ltmp1:
0x41: {  	s20 =	simm.s32 @!p0 $0x2;
	[sflag:s13] =	ssyncadd.s32 $0xFFFFD900;
	(pc) =	sbr.rel @p1 .LBB2_1-.Ltmp1, $4  }
0x42: {  	[hbm:s10], [sflag:s5] =	dma.local @!p0 [spmem:s14], $0x100  }
0x43: {  	_ =	swait.ge @!p0 [sflag:s20], $0x100  }
0x44: {  	[sflag:s20] =	ssyncset.done @!p0 $0x0  }
0x45: {  	[sflag:s20] =	ssyncadd.s32 @!p0 $0xFFFFFF00  }
0x46: {  	_ =	sfence.sel $0x180000  }
0x47: {  	[bflag:$0x0] =	sbarrier.arrive $0xFFFF  }
0x48: {  	_ =	strace $0x9000004D  }
0x49: {  	s0 =	sadd.s32 @!p0 $0x100000, s1;
	[bflag:$0x2] =	sbarrier.arrive $0xFFFF  }
0x4a: {  	[sflag:s0] =	ssyncadd.tile.s32 @!p0 $0x1;
	_ =	shalt  }
.Lfunc_end2:
_tile_overlayer_lowered:
.L_overlay_start_2:
0x4b: {  	(tag) =	ssettag $0x2  }
0x4c: {  	s0 =	rddreg [dreg:$0x0];
	s2 =	stileid.u32  }
0x4d: {  	s1 =	rddreg [dreg:$0x1];
	p0 =	sne.s32 s2, $0x0  }
0x4e: {  	s3 =	rddreg [dreg:$0x2];
	[bflag:$0x3] =	sbarrier.arrive $0xFFFF;
	s2 =	simm.s32 @!p0 $0x1C02  }
0x4f: {  	[timem:s3], [sflag:s2] =	dma.local @!p0 [hbm:s0], s1  }
0x50: {  	s0 =	simm.s32 @!p0 $0x2  }
0x51: {  	_ =	swait.ge @!p0 [sflag:s0], s1  }
0x52: {  	s1 =	ssub.s32 @!p0 $0x0, s1;
	[sflag:s0] =	ssyncset.done @!p0 $0x0  }
0x53: {  	[sflag:s0] =	ssyncadd.s32 @!p0 s1  }
0x54: {  	[bflag:$0x3] =	sbarrier.arrive $0xFFFF  }
0x55: {  	_ =	shalt  }

// kernel: kernel.17.cloned.1.call-start
scs
__scs_entry_jumppad:
0x0: {  	(pc) =	sbr.rel $0x88, $3  }
0x1: {  	(tag) =	ssettag $0x0;
	lr =	simm.s32 $0x1  }
0x2: {  	[smem:$0x3F87] =	sst lr;
	_ =	strace $0xD0000000  }
0x3: {  	_ = 	snop  }
0x4: {  	_ = 	snop  }
0x5: {  	_ = 	snop  }
0x6: {  	_ = 	snop  }
0x7: {  	_ = 	snop  }
__scs_overlays_trampoline_lowered:
0x8: {  	[smem:$0x3F96] =	sst s0  }
0x9: {  	[smem:$0x3F97] =	sst s1  }
0xa: {  	[smem:$0x3F98] =	sst s2  }
0xb: {  	[smem:$0x3F99] =	sst s3  }
0xc: {  	[smem:$0x3F9A] =	sst s4  }
0xd: {  	[smem:$0x3F9B] =	sst s5  }
0xe: {  	[smem:$0x3F9C] =	sst s6  }
0xf: {  	[smem:$0x3F9D] =	sst s7  }
0x10: {  	[smem:$0x3F9E] =	sst s8  }
0x11: {  	[smem:$0x3F9F] =	sst s9;
	s0 =	simm.s32 @!p0 $0x0  }
0x12: {  	s1 =	sld [smem:$0x3F85];
	s0 =	simm.s32 @p0 $0x1  }
0x13: {  	[smem:$0x3FA0] =	sst s0;
	s0 =	simm.s32 @!p1 $0x0  }
0x14: {  	s2 =	sld [smem:$0x3F84];
	s0 =	simm.s32 @p1 $0x1  }
0x15: {  	[smem:$0x3FA1] =	sst s0;
	s0 =	simm.s32 @!p2 $0x0  }
0x16: {  	s3 =	sld [smem:$0x3FDB];
	s0 =	simm.s32 @p2 $0x1  }
0x17: {  	s4 =	simm.s32 $0x1BF5;
	[smem:$0x3FA3] =	sst s0  }
0x18: {  	s0 =	sld [smem:$0x3F86];
	_ =	swait.ge [sflag:s4], $0x0  }
0x19: {  	s7 =	sld [smem:$0x3F87]  }
0x1a: {  	s8 =	sadd.s32 $0xFFFFE003, lr  }
0x1b: {  	s9 =	sadd.s32 $0xFFFFFEF7, lr;
	s5 =	simm.s32 $0xFFFFFFFF;
	p2 =	slt.u32 s8, $0xFFFFF086  }
0x1c: {  	p1 =	slt.u32 s9, $0xF7A;
	s5 =	simm.s32 @!p2 $0x0  }
0x1d: {  	s5 =	simm.s32 @p1 $0x1;
	p0 =	seq.s32 s7, s2  }
0x1e: {  	s7 =	smul.u32 @!p0 $0xF7A, s2;
	p2 =	seq.s32 @!p0 s5, $0x0  }
0x1f: {  	s9 =	smul.u32 $0xF7A, s1;
	s8 =	simm.s32 @!p0 $0x1BF5;
	p2 =	por !p2, p0  }
0x20: {  	[sflag:s8] =	ssyncset.s32 @!p0 $0xFFFFF086;
	s6 =	sadd.s32 @!p0 s3, s7;
	s7 =	simm.s32 @!p0 $0x108  }
0x21: {  	s3 =	sadd.s32 s3, s9;
	s6 =	sadd.s32 @!p0 $0x88, s6;
	s7 =	simm.s32 @p2 $0x1082  }
0x22: {  	[simem:s7], [sflag:s8] =	dma.local @!p0 [hbm:s6], $0xF7A  }
0x23: {  	s9 =	sor.u32 $0xD0000000, s2;
	s6 =	simm.s32 $0x108;
	_ =	swait.ge @!p0 [sflag:s8], $0x0  }
0x24: {  	s3 =	sadd.s32 $0x88, s3;
	s6 =	simm.s32 @!p1 $0x1082;
	[sflag:s4] =	ssyncset.s32 $0xFFFFF086  }
0x25: {  	[simem:s6], [sflag:s4] =	dma.local [hbm:s3], $0xF7A  }
0x26: {  	[smem:$0x3F87] =	sst s1;
	(tag) =	ssettag s2;
	_ =	strace s9  }
0x27: {  	s1 =	sld [smem:$0x3F97]  }
0x28: {  	s2 =	sld [smem:$0x3F98]  }
0x29: {  	s4 =	sld [smem:$0x3F9A]  }
0x2a: {  	p0 =	seq.s32 s5, $0x0;
	s5 =	sld [smem:$0x3F9B]  }
0x2b: {  	s6 =	sld [smem:$0x3F9C]  }
0x2c: {  	s7 =	sld [smem:$0x3F9D]  }
0x2d: {  	s3 =	simm.s32 $0x108;
	s8 =	sld [smem:$0x3F9E]  }
0x2e: {  	s3 =	simm.s32 @!p0 $0x1082;
	s9 =	sld [smem:$0x3F9F]  }
0x2f: {  	lr =	sadd.s32 s0, s3;
	s0 =	sld [smem:$0x3F96]  }
0x30: {  	s3 =	sld [smem:$0x3F99]  }
0x31: {  	[smem:$0x3FA2] =	sst s10  }
0x32: {  	s10 =	sld [smem:$0x3FA0];
	_ =	sdelay $0x3  }
0x33: {  	p0 =	seq.s32 s10, $0x1;
	s10 =	sld [smem:$0x3FA2];
	_ =	sdelay $0x3  }
0x34: {  	[smem:$0x3FA2] =	sst s10  }
0x35: {  	s10 =	sld [smem:$0x3FA1];
	_ =	sdelay $0x3  }
0x36: {  	p1 =	seq.s32 s10, $0x1;
	s10 =	sld [smem:$0x3FA2];
	_ =	sdelay $0x3  }
0x37: {  	[smem:$0x3FA2] =	sst s10  }
0x38: {  	s10 =	sld [smem:$0x3FA3]  }
0x39: {  	_ = 	snop;
	(pc) =	sbr.ind lr, $3  }
0x3a: {  	_ = 	snop  }
0x3b: {  	_ = 	snop  }
0x3c: {  	p2 =	seq.s32 s10, $0x1;
	s10 =	sld [smem:$0x3FA2]  }
0x3d: {  	_ =	shalt  }
0x3e: {  	_ =	shalt  }
0x3f: {  	_ =	shalt  }
0x40: {  	_ =	shalt  }
0x41: {  	_ =	shalt  }
0x42: {  	_ =	shalt  }
0x43: {  	_ =	shalt  }
0x44: {  	_ =	shalt  }
0x45: {  	_ =	shalt  }
0x46: {  	_ =	shalt  }
0x47: {  	_ =	shalt  }
0x48: {  	_ =	shalt  }
0x49: {  	_ =	shalt  }
0x4a: {  	_ =	shalt  }
0x4b: {  	_ =	shalt  }
0x4c: {  	_ =	shalt  }
0x4d: {  	_ =	shalt  }
0x4e: {  	_ =	shalt  }
0x4f: {  	_ =	shalt  }
0x50: {  	_ =	shalt  }
0x51: {  	_ =	shalt  }
0x52: {  	_ =	shalt  }
0x53: {  	_ =	shalt  }
0x54: {  	_ =	shalt  }
0x55: {  	_ =	shalt  }
0x56: {  	_ =	shalt  }
0x57: {  	_ =	shalt  }
0x58: {  	_ =	shalt  }
0x59: {  	_ =	shalt  }
0x5a: {  	_ =	shalt  }
0x5b: {  	_ =	shalt  }
0x5c: {  	_ =	shalt  }
0x5d: {  	_ =	shalt  }
0x5e: {  	_ =	shalt  }
0x5f: {  	_ =	shalt  }
0x60: {  	_ =	shalt  }
0x61: {  	_ =	shalt  }
0x62: {  	_ =	shalt  }
0x63: {  	_ =	shalt  }
0x64: {  	_ =	shalt  }
0x65: {  	_ =	shalt  }
0x66: {  	_ =	shalt  }
0x67: {  	_ =	shalt  }
0x68: {  	_ =	shalt  }
0x69: {  	_ =	shalt  }
0x6a: {  	_ =	shalt  }
0x6b: {  	_ =	shalt  }
0x6c: {  	_ =	shalt  }
0x6d: {  	_ =	shalt  }
0x6e: {  	_ =	shalt  }
0x6f: {  	_ =	shalt  }
0x70: {  	_ =	shalt  }
0x71: {  	_ =	shalt  }
0x72: {  	_ =	shalt  }
0x73: {  	_ =	shalt  }
0x74: {  	_ =	shalt  }
0x75: {  	_ =	shalt  }
0x76: {  	_ =	shalt  }
0x77: {  	_ =	shalt  }
0x78: {  	_ =	shalt  }
0x79: {  	_ =	shalt  }
0x7a: {  	_ =	shalt  }
0x7b: {  	_ =	shalt  }
0x7c: {  	_ =	shalt  }
0x7d: {  	_ =	shalt  }
0x7e: {  	_ =	shalt  }
0x7f: {  	_ =	shalt  }
0x80: {  	_ =	shalt  }
0x81: {  	_ =	shalt  }
0x82: {  	_ =	shalt  }
0x83: {  	_ =	shalt  }
0x84: {  	_ =	shalt  }
0x85: {  	_ =	shalt  }
0x86: {  	_ =	shalt  }
0x87: {  	_ =	shalt  }
.Lfunc_end0:
.L_simem_size_0:
called_computation.3_lowered:
.L_overlay_start_0:
0x88: {  	s2 =	sld [smem:$0x3FD9]  }
0x89: {  	s3 =	sld [smem:$0x3FFE];
	_ =	sdelay $0x1  }
0x8a: {  	s1 =	srdreg.scid  }
0x8b: {  	s0 =	sand.u32 $0x1, s1  }
0x8c: {  	s17 =	sshll.u32 s0, $0xA;
	s2 =	sadd.s32 s3, s2  }
0x8d: {  	s2 =	sadd.s32 s2, s17  }
0x8e: {  	[smem:$0x3FAE] =	sst s2  }
0x8f: {  	_ = 	snop  }
0x90: {  	s2 =	sld [smem:$0x3FD0];
	(tm) =	ssettm $0x1  }
0x91: {  	s18 =	sld [smem:$0x3FFB];
	_ =	sdelay $0x3  }
0x92: {  	_ =	strace s18  }
0x93: {  	s3 =	sld [smem:$0x3FFC];
	_ =	sdelay $0x3  }
0x94: {  	_ =	strace s3  }
0x95: {  	s3 =	sld [smem:$0x3FFD];
	_ =	sdelay $0x3  }
0x96: {  	_ =	strace s3  }
0x97: {  	_ =	strace $0x8FFFFFFF  }
0x98: {  	s19 =	sld [smem:$0x3FDB];
	_ =	sdelay $0x1  }
0x99: {  	s4 =	simm.s32 $_scs_section_size  }
0x9a: {  	s5 =	simm.s32 $_size__tile_overlayer_lowered;
	s6 =	simm.s32 $_tile_overlayer_lowered  }
0x9b: {  	s22 =	simm.s32 $0x1BFF;
	s21 =	sshll.u32 s6, $0x1;
	s3 =	sadd.s32 s4, s19  }
0x9c: {  	s7 =	simm.s32 $0x0;
	s20 =	sshll.u32 s5, $0x1;
	s5 =	sadd.s32 s21, s3  }
0x9d: {  	[timem:s7], [sflag:s22] =	dma.local [hbm:s5], s20  }
0x9e: {  	_ =	swait.ge [sflag:s22], s20  }
0x9f: {  	s4 =	ssub.s32 $0x0, s20;
	[sflag:s22] =	ssyncset.done $0x0  }
0xa0: {  	[sflag:s22] =	ssyncadd.s32 s4;
	_ =	sdelay $0x1  }
0xa1: {  	s23 =	simm.s32 $0x1B8B  }
0xa2: {  	_ =	swait.ge [sflag:s23], $0x1  }
0xa3: {  	[sflag:s23] =	ssyncset.done $0x0  }
0xa4: {  	s25 =	simm.s32 $0x1B8E;
	s24 =	sld [smem:$0x3FFE];
	[sflag:s23] =	ssyncadd.s32 $0xFFFFFFFF  }
0xa5: {  	s26 =	simm.s32 $execute0_lowered;
	[smem:$0x3FD2] =	sst s25  }
0xa6: {  	s5 =	sshll.u32 s26, $0x1;
	_ =	strace $0x8000004F;
	[dreg:$0x1] =	wrdreg $0xFFFFFFFF  }
0xa7: {  	s28 =	simm.s32 $_size_execute0_lowered;
	s3 =	sadd.s32 s3, s5;
	[dreg:$0x0] =	wrdreg $0x0  }
0xa8: {  	s5 =	sshll.u32 s28, $0x1;
	[dreg:$0x2] =	wrdreg s3  }
0xa9: {  	[dreg:$0x3] =	wrdreg s5  }
0xaa: {  	[dreg:$0x4] =	wrdreg $0xC0  }
0xab: {  	_ =	task [dreg:s7], $0x5FFFF  }
0xac: {  	[dreg:$0x1] =	wrdreg $0xFFFFFFFF  }
0xad: {  	[dreg:$0x0] =	wrdreg $0x60  }
0xae: {  	[dreg:$0x2] =	wrdreg s24  }
0xaf: {  	[dreg:$0x3] =	wrdreg s2  }
0xb0: {  	[dreg:$0x4] =	wrdreg $0x64000  }
0xb1: {  	[dreg:$0x5] =	wrdreg $0x9  }
0xb2: {  	_ =	task.clear_ibuf [dreg:s7], $0x6FFFF;
	_ =	strace $0x9000004F  }
0xb3: {  	s29 =	simm.s32 $0x9;
	_ =	strace $0x80000051  }
0xb4: {  	_ =	swait.ge [sflag:s29], $0x1  }
0xb5: {  	[sflag:s29] =	ssyncadd.s32 $0xFFFFFFFF  }
0xb6: {  	_ =	strace $0x90000051  }
0xb7: {  	_ =	sfence  }
0xb8: {  	s30 =	sld [smem:$0x0];
	_ =	sdelay $0x2  }
0xb9: {  	s31 =	sshll.u32 s1, $0xD;
	s1 =	sshrl.u32 s1, $0x2  }
0xba: {  	s3 =	sand.u32 $0x4000, s31;
	s1 =	sadd.s32 s1, s30  }
0xbb: {  	s0 =	sor.u32 s3, s0;
	s1 =	sshll.u32 s1, $0x11  }
0xbc: {  	s0 =	sor.u32 s1, s0  }
0xbd: {  	s0 =	sadd.s32 $0x8F2B, s0  }
0xbe: {  	[sflag:s0] =	ssyncadd.remote.s32 $0x1  }
0xbf: {  	_ =	sfence.sel $0xFFFF  }
0xc0: {  	[dreg:$0x0] =	wrdreg $0xFFFFFFFF;
	(pc) =	sbr.abs _section_cstart, $3  }
0xc1: {  	[dreg:$0x1] =	wrdreg $0xFFFFFFFF  }
0xc2: {  	_ =	task.clear_ibuf [dreg:s7], $0x2FFFF;
	_ =	strace $0x9FFFFFFF  }
0xc3: {  	(tm) =	ssettm $0x7FFFFFFF  }
tec
execute0_lowered:
.L_overlay_start_1:
0x0: {  	(tag) =	ssettag $0x1  }
0x1: {  	s4 =	rddreg [dreg:$0x0]  }
0x2: {  	s6 =	rddreg [dreg:$0x1]  }
0x3: {  	s1 =	rddreg [dreg:$0x2];
	s2 =	srdreg.scid  }
0x4: {  	s0 =	rddreg [dreg:$0x3];
	s12 =	stileid.u32;
	s17 =	simm.s32 $0x5000  }
0x5: {  	s18 =	simm.s32 $0x1;
	s19 =	simm.s32 $0x0;
	s5 =	sand.u32 $0x1, s2  }
0x6: {  	s2 =	simm.s32 $0x0;
	s9 =	smul.u32 $0x9C00, s12;
	s11 =	sadd.s32 $0x2EE00, s4  }
0x7: {  	s29 =	sshll.u32 s12, $0x6;
	s15 =	sadd.s32 $0x9C000, s1;
	p0 =	sne.s32 s12, $0x0  }
0x8: {  	s3 =	sshll.u32 s5, $0x4;
	[smem:$0x7FF] =	sst s2;
	s8 =	ssub.s32 $0x2, s5  }
0x9: {  	s30 =	smul.u32 $0x9C400, s5;
	s5 =	sor.u32 $0x1C02, s29;
	s3 =	sor.u32 s12, s3  }
0xa: {  	_ =	strace $0x80000050;
	s26 =	sshrl.u32 s8, $0x1;
	s14 =	sadd.s32 s9, s1  }
0xb: {  	s28 =	sshrl.u32 s9, $0x3;
	s7 =	smul.u32 $0x500, s3;
	s3 =	sadd.s32 $0x1B400, s4  }
0xc: {  	s13 =	ssub.s32 s8, s26;
	s9 =	sadd.s32 s9, s30;
	s16 =	sshrl.u32 s30, $0x3  }
0xd: {  	s12 =	sshrl.u32 s14, $0x3;
	s14 =	sshrl.u32 @!p0 s15, $0x3;
	s15 =	simm.s32 $0x2800  }
0xe: {  	s9 =	sshrl.u32 s9, $0x3;
	s31 =	sadd.s32 s11, s16;
	s16 =	simm.s32 $0x50  }
0xf: {  	s10 =	sadd.s32 s7, s4;
	s4 =	sadd.s32 s6, s28;
	s6 =	sadd.s32 $0x13800, s6  }
0x10: {  	s9 =	sadd.s32 s11, s9;
	s11 =	smax.u32 s13, $0x1;
	s13 =	simm.s32 $0x2  }
0x11: {  	s7 =	sadd.s32 $0x11400, s10;
	s8 =	sadd.s32 $0x9A400, s10;
	s10 =	sadd.s32 $0x13800, s31  }
.LBB2_1:
0x12: {  	[spmem:s12], [sflag:s5] =	dma.local [hbm:s4], $0x1380  }
0x13: {  	_ =	swait.ge [sflag:s13], $0x1380  }
0x14: {  	[sflag:s13] =	ssyncset.done $0x0  }
0x15: {  	s20 =	simm.s32 @!p0 $0x2;
	[sflag:s13] =	ssyncadd.s32 $0xFFFFEC80  }
0x16: {  	[spmem:s14], [sflag:s5] =	dma.local @!p0 [hbm:s6], $0xC0  }
0x17: {  	_ =	swait.ge @!p0 [sflag:s20], $0xC0  }
0x18: {  	[sflag:s20] =	ssyncset.done @!p0 $0x0  }
0x19: {  	[sflag:s20] =	ssyncadd.s32 @!p0 $0xFFFFFF40  }
0x1a: {  	[tilespmem:s2], [sflag:$0x2] =	stream.linear.gather [hbm4b:s7+s2], $0x2800, $0x38;
	[tilespmem:$0x10060] =	vst v63  }
0x1b: {  	_ =	swait.ge [sflag:s13], $0x2800  }
0x1c: {  	[sflag:s13] =	ssyncset.done $0x0  }
0x1d: {  	[sflag:s13] =	ssyncadd.s32 $0xFFFFD800  }
0x1e: {  	[tilespmem:s15], [sflag:$0x2] =	stream.linear.gather [hbm4b:s8+s2], $0x2800, $0x38;
	[tilespmem:$0x10060] =	vst v63  }
0x1f: {  	_ =	swait.ge [sflag:s13], $0x2800  }
0x20: {  	[sflag:s13] =	ssyncset.done $0x0  }
0x21: {  	[sflag:s13] =	ssyncadd.s32 $0xFFFFD800  }
0x22: {  	s30 =	simm.s32 $0x0;
	[bflag:$0x0] =	sbarrier.arrive $0xFFFF  }
0x23: {  	[tilespmem:s17], [sflag:$0x1] =	stream.indirect.gather [hbm4b:s3+s16], $0x40, s30, s16, $0xb8;
	[tilespmem:$0x10060] =	vst v63  }
0x24: {  	_ =	swait.ge [sflag:s18], $0x1400  }
0x25: {  	[sflag:s18] =	ssyncset.done $0x0  }
0x26: {  	s31 =	simm.s32 $0x2800;
	[sflag:s18] =	ssyncadd.s32 $0xFFFFEC00  }
0x27: {  	[spmem:s1] =	stream.indirect.scatter.add.f32 [tilespmem:s17], [sflag:$0x2], $0x40, s31, s16, $0xb8;
	[tilespmem:$0x10060] =	vst v63  }
0x28: {  	_ =	swait.ge [sflag:s13], $0x1400  }
0x29: {  	s21 =	simm.s32 $0x280;
	s20 =	simm.s32 $0x140;
	[sflag:s13] =	ssyncset.done $0x0  }
.LBB2_2:
0x2a: {  	s22 =	sshra.s32 s20, $0x2  }
0x2b: {  	[sflag:s13] =	ssyncadd.s32 $0xFFFFEC00;
	s20 =	smov.u32 s21;
	s23 =	sadd.s32 $0x140, s21  }
0x2c: {  	[tilespmem:s17], [sflag:$0x1] =	stream.indirect.gather [hbm4b:s3+s16], $0x40, s22, s16, $0xb8;
	[tilespmem:$0x10060] =	vst v63  }
0x2d: {  	p1 =	sne.s32 s21, $0x9EC0;
	_ =	swait.ge [sflag:s18], $0x1400  }
.Ltmp0:
0x2e: {  	[sflag:s18] =	ssyncset.done $0x0;
	(pc) =	sbr.rel @p1 .LBB2_2-.Ltmp0, $4  }
0x2f: {  	s21 =	sadd.s32 $0x2800, s22;
	[sflag:s18] =	ssyncadd.s32 $0xFFFFEC00  }
0x30: {  	[spmem:s1] =	stream.indirect.scatter.add.f32 [tilespmem:s17], [sflag:$0x2], $0x40, s21, s16, $0xb8;
	[tilespmem:$0x10060] =	vst v63  }
0x31: {  	_ =	swait.ge [sflag:s13], $0x1400  }
0x32: {  	s21 =	smov.u32 s23;
	[sflag:s13] =	ssyncset.done $0x0  }
0x33: {  	s20 =	sshra.s32 s20, $0x2;
	[sflag:s13] =	ssyncadd.s32 $0xFFFFEC00  }
0x34: {  	[tilespmem:s17], [sflag:$0x1] =	stream.indirect.gather [hbm4b:s3+s16], $0x40, s20, s16, $0xb8;
	[tilespmem:$0x10060] =	vst v63  }
0x35: {  	_ =	swait.ge [sflag:s18], $0x1400  }
0x36: {  	[sflag:s18] =	ssyncset.done $0x0  }
0x37: {  	s20 =	sadd.s32 $0x2800, s20;
	[sflag:s18] =	ssyncadd.s32 $0xFFFFEC00  }
0x38: {  	[spmem:s1] =	stream.indirect.scatter.add.f32 [tilespmem:s17], [sflag:$0x2], $0x40, s20, s16, $0xb8;
	[tilespmem:$0x10060] =	vst v63  }
0x39: {  	_ =	swait.ge [sflag:s13], $0x1400  }
0x3a: {  	[sflag:s13] =	ssyncset.done $0x0  }
0x3b: {  	[sflag:s13] =	ssyncadd.s32 $0xFFFFEC00  }
0x3c: {  	[bflag:$0x0] =	sbarrier.arrive $0xFFFF  }
0x3d: {  	[hbm:s9], [sflag:s5] =	dma.local [spmem:s12], $0x1380  }
0x3e: {  	s19 =	sadd.s32 $0x1, s19;
	_ =	swait.ge [sflag:s13], $0x1380  }
0x3f: {  	p1 =	sne.s32 s19, s11;
	[sflag:s13] =	ssyncset.done $0x0  }
.Ltmp1:
0x40: {  	s20 =	simm.s32 @!p0 $0x2;
	[sflag:s13] =	ssyncadd.s32 $0xFFFFEC80;
	(pc) =	sbr.rel @p1 .LBB2_1-.Ltmp1, $4  }
0x41: {  	[hbm:s10], [sflag:s5] =	dma.local @!p0 [spmem:s14], $0x80  }
0x42: {  	_ =	swait.ge @!p0 [sflag:s20], $0x80  }
0x43: {  	[sflag:s20] =	ssyncset.done @!p0 $0x0  }
0x44: {  	[sflag:s20] =	ssyncadd.s32 @!p0 $0xFFFFFF80  }
0x45: {  	_ =	sfence.sel $0x180000  }
0x46: {  	[bflag:$0x0] =	sbarrier.arrive $0xFFFF  }
0x47: {  	_ =	strace $0x90000050  }
0x48: {  	s0 =	sadd.s32 @!p0 $0x100000, s0;
	[bflag:$0x2] =	sbarrier.arrive $0xFFFF  }
0x49: {  	[sflag:s0] =	ssyncadd.tile.s32 @!p0 $0x1;
	_ =	shalt  }
.Lfunc_end2:
_tile_overlayer_lowered:
.L_overlay_start_2:
0x4a: {  	(tag) =	ssettag $0x2  }
0x4b: {  	s0 =	rddreg [dreg:$0x0];
	s2 =	stileid.u32  }
0x4c: {  	s1 =	rddreg [dreg:$0x1];
	p0 =	sne.s32 s2, $0x0  }
0x4d: {  	s3 =	rddreg [dreg:$0x2];
	[bflag:$0x3] =	sbarrier.arrive $0xFFFF;
	s2 =	simm.s32 @!p0 $0x1C02  }
0x4e: {  	[timem:s3], [sflag:s2] =	dma.local @!p0 [hbm:s0], s1  }
0x4f: {  	s0 =	simm.s32 @!p0 $0x2  }
0x50: {  	_ =	swait.ge @!p0 [sflag:s0], s1  }
0x51: {  	s1 =	ssub.s32 @!p0 $0x0, s1;
	[sflag:s0] =	ssyncset.done @!p0 $0x0  }
0x52: {  	[sflag:s0] =	ssyncadd.s32 @!p0 s1  }
0x53: {  	[bflag:$0x3] =	sbarrier.arrive $0xFFFF  }
0x54: {  	_ =	shalt  }

// kernel: kernel.20.cloned.1.call-start
scs
__scs_entry_jumppad:
0x0: {  	(pc) =	sbr.rel $0x88, $3  }
0x1: {  	(tag) =	ssettag $0x0;
	lr =	simm.s32 $0x1  }
0x2: {  	[smem:$0x3F87] =	sst lr;
	_ =	strace $0xD0000000  }
0x3: {  	_ = 	snop  }
0x4: {  	_ = 	snop  }
0x5: {  	_ = 	snop  }
0x6: {  	_ = 	snop  }
0x7: {  	_ = 	snop  }
__scs_overlays_trampoline_lowered:
0x8: {  	[smem:$0x3F96] =	sst s0  }
0x9: {  	[smem:$0x3F97] =	sst s1  }
0xa: {  	[smem:$0x3F98] =	sst s2  }
0xb: {  	[smem:$0x3F99] =	sst s3  }
0xc: {  	[smem:$0x3F9A] =	sst s4  }
0xd: {  	[smem:$0x3F9B] =	sst s5  }
0xe: {  	[smem:$0x3F9C] =	sst s6  }
0xf: {  	[smem:$0x3F9D] =	sst s7  }
0x10: {  	[smem:$0x3F9E] =	sst s8  }
0x11: {  	[smem:$0x3F9F] =	sst s9;
	s0 =	simm.s32 @!p0 $0x0  }
0x12: {  	s1 =	sld [smem:$0x3F85];
	s0 =	simm.s32 @p0 $0x1  }
0x13: {  	[smem:$0x3FA0] =	sst s0;
	s0 =	simm.s32 @!p1 $0x0  }
0x14: {  	s2 =	sld [smem:$0x3F84];
	s0 =	simm.s32 @p1 $0x1  }
0x15: {  	[smem:$0x3FA1] =	sst s0;
	s0 =	simm.s32 @!p2 $0x0  }
0x16: {  	s3 =	sld [smem:$0x3FDB];
	s0 =	simm.s32 @p2 $0x1  }
0x17: {  	s4 =	simm.s32 $0x1BF5;
	[smem:$0x3FA3] =	sst s0  }
0x18: {  	s0 =	sld [smem:$0x3F86];
	_ =	swait.ge [sflag:s4], $0x0  }
0x19: {  	s7 =	sld [smem:$0x3F87]  }
0x1a: {  	s8 =	sadd.s32 $0xFFFFE003, lr  }
0x1b: {  	s9 =	sadd.s32 $0xFFFFFEF7, lr;
	s5 =	simm.s32 $0xFFFFFFFF;
	p2 =	slt.u32 s8, $0xFFFFF086  }
0x1c: {  	p1 =	slt.u32 s9, $0xF7A;
	s5 =	simm.s32 @!p2 $0x0  }
0x1d: {  	s5 =	simm.s32 @p1 $0x1;
	p0 =	seq.s32 s7, s2  }
0x1e: {  	s7 =	smul.u32 @!p0 $0xF7A, s2;
	p2 =	seq.s32 @!p0 s5, $0x0  }
0x1f: {  	s9 =	smul.u32 $0xF7A, s1;
	s8 =	simm.s32 @!p0 $0x1BF5;
	p2 =	por !p2, p0  }
0x20: {  	[sflag:s8] =	ssyncset.s32 @!p0 $0xFFFFF086;
	s6 =	sadd.s32 @!p0 s3, s7;
	s7 =	simm.s32 @!p0 $0x108  }
0x21: {  	s3 =	sadd.s32 s3, s9;
	s6 =	sadd.s32 @!p0 $0x88, s6;
	s7 =	simm.s32 @p2 $0x1082  }
0x22: {  	[simem:s7], [sflag:s8] =	dma.local @!p0 [hbm:s6], $0xF7A  }
0x23: {  	s9 =	sor.u32 $0xD0000000, s2;
	s6 =	simm.s32 $0x108;
	_ =	swait.ge @!p0 [sflag:s8], $0x0  }
0x24: {  	s3 =	sadd.s32 $0x88, s3;
	s6 =	simm.s32 @!p1 $0x1082;
	[sflag:s4] =	ssyncset.s32 $0xFFFFF086  }
0x25: {  	[simem:s6], [sflag:s4] =	dma.local [hbm:s3], $0xF7A  }
0x26: {  	[smem:$0x3F87] =	sst s1;
	(tag) =	ssettag s2;
	_ =	strace s9  }
0x27: {  	s1 =	sld [smem:$0x3F97]  }
0x28: {  	s2 =	sld [smem:$0x3F98]  }
0x29: {  	s4 =	sld [smem:$0x3F9A]  }
0x2a: {  	p0 =	seq.s32 s5, $0x0;
	s5 =	sld [smem:$0x3F9B]  }
0x2b: {  	s6 =	sld [smem:$0x3F9C]  }
0x2c: {  	s7 =	sld [smem:$0x3F9D]  }
0x2d: {  	s3 =	simm.s32 $0x108;
	s8 =	sld [smem:$0x3F9E]  }
0x2e: {  	s3 =	simm.s32 @!p0 $0x1082;
	s9 =	sld [smem:$0x3F9F]  }
0x2f: {  	lr =	sadd.s32 s0, s3;
	s0 =	sld [smem:$0x3F96]  }
0x30: {  	s3 =	sld [smem:$0x3F99]  }
0x31: {  	[smem:$0x3FA2] =	sst s10  }
0x32: {  	s10 =	sld [smem:$0x3FA0];
	_ =	sdelay $0x3  }
0x33: {  	p0 =	seq.s32 s10, $0x1;
	s10 =	sld [smem:$0x3FA2];
	_ =	sdelay $0x3  }
0x34: {  	[smem:$0x3FA2] =	sst s10  }
0x35: {  	s10 =	sld [smem:$0x3FA1];
	_ =	sdelay $0x3  }
0x36: {  	p1 =	seq.s32 s10, $0x1;
	s10 =	sld [smem:$0x3FA2];
	_ =	sdelay $0x3  }
0x37: {  	[smem:$0x3FA2] =	sst s10  }
0x38: {  	s10 =	sld [smem:$0x3FA3]  }
0x39: {  	_ = 	snop;
	(pc) =	sbr.ind lr, $3  }
0x3a: {  	_ = 	snop  }
0x3b: {  	_ = 	snop  }
0x3c: {  	p2 =	seq.s32 s10, $0x1;
	s10 =	sld [smem:$0x3FA2]  }
0x3d: {  	_ =	shalt  }
0x3e: {  	_ =	shalt  }
0x3f: {  	_ =	shalt  }
0x40: {  	_ =	shalt  }
0x41: {  	_ =	shalt  }
0x42: {  	_ =	shalt  }
0x43: {  	_ =	shalt  }
0x44: {  	_ =	shalt  }
0x45: {  	_ =	shalt  }
0x46: {  	_ =	shalt  }
0x47: {  	_ =	shalt  }
0x48: {  	_ =	shalt  }
0x49: {  	_ =	shalt  }
0x4a: {  	_ =	shalt  }
0x4b: {  	_ =	shalt  }
0x4c: {  	_ =	shalt  }
0x4d: {  	_ =	shalt  }
0x4e: {  	_ =	shalt  }
0x4f: {  	_ =	shalt  }
0x50: {  	_ =	shalt  }
0x51: {  	_ =	shalt  }
0x52: {  	_ =	shalt  }
0x53: {  	_ =	shalt  }
0x54: {  	_ =	shalt  }
0x55: {  	_ =	shalt  }
0x56: {  	_ =	shalt  }
0x57: {  	_ =	shalt  }
0x58: {  	_ =	shalt  }
0x59: {  	_ =	shalt  }
0x5a: {  	_ =	shalt  }
0x5b: {  	_ =	shalt  }
0x5c: {  	_ =	shalt  }
0x5d: {  	_ =	shalt  }
0x5e: {  	_ =	shalt  }
0x5f: {  	_ =	shalt  }
0x60: {  	_ =	shalt  }
0x61: {  	_ =	shalt  }
0x62: {  	_ =	shalt  }
0x63: {  	_ =	shalt  }
0x64: {  	_ =	shalt  }
0x65: {  	_ =	shalt  }
0x66: {  	_ =	shalt  }
0x67: {  	_ =	shalt  }
0x68: {  	_ =	shalt  }
0x69: {  	_ =	shalt  }
0x6a: {  	_ =	shalt  }
0x6b: {  	_ =	shalt  }
0x6c: {  	_ =	shalt  }
0x6d: {  	_ =	shalt  }
0x6e: {  	_ =	shalt  }
0x6f: {  	_ =	shalt  }
0x70: {  	_ =	shalt  }
0x71: {  	_ =	shalt  }
0x72: {  	_ =	shalt  }
0x73: {  	_ =	shalt  }
0x74: {  	_ =	shalt  }
0x75: {  	_ =	shalt  }
0x76: {  	_ =	shalt  }
0x77: {  	_ =	shalt  }
0x78: {  	_ =	shalt  }
0x79: {  	_ =	shalt  }
0x7a: {  	_ =	shalt  }
0x7b: {  	_ =	shalt  }
0x7c: {  	_ =	shalt  }
0x7d: {  	_ =	shalt  }
0x7e: {  	_ =	shalt  }
0x7f: {  	_ =	shalt  }
0x80: {  	_ =	shalt  }
0x81: {  	_ =	shalt  }
0x82: {  	_ =	shalt  }
0x83: {  	_ =	shalt  }
0x84: {  	_ =	shalt  }
0x85: {  	_ =	shalt  }
0x86: {  	_ =	shalt  }
0x87: {  	_ =	shalt  }
.Lfunc_end0:
.L_simem_size_0:
called_computation.4_lowered:
.L_overlay_start_0:
0x88: {  	s2 =	sld [smem:$0x3FD9]  }
0x89: {  	s3 =	sld [smem:$0x3FFE];
	_ =	sdelay $0x1  }
0x8a: {  	s1 =	srdreg.scid  }
0x8b: {  	s0 =	sand.u32 $0x1, s1  }
0x8c: {  	s17 =	sshll.u32 s0, $0xA;
	s2 =	sadd.s32 s3, s2  }
0x8d: {  	s2 =	sadd.s32 s2, s17  }
0x8e: {  	[smem:$0x3FAE] =	sst s2  }
0x8f: {  	_ = 	snop  }
0x90: {  	s2 =	sld [smem:$0x3FD0];
	(tm) =	ssettm $0x1  }
0x91: {  	s18 =	sld [smem:$0x3FFB];
	_ =	sdelay $0x3  }
0x92: {  	_ =	strace s18  }
0x93: {  	s3 =	sld [smem:$0x3FFC];
	_ =	sdelay $0x3  }
0x94: {  	_ =	strace s3  }
0x95: {  	s3 =	sld [smem:$0x3FFD];
	_ =	sdelay $0x3  }
0x96: {  	_ =	strace s3  }
0x97: {  	_ =	strace $0x8FFFFFFF  }
0x98: {  	s19 =	sld [smem:$0x3FDB];
	_ =	sdelay $0x1  }
0x99: {  	s4 =	simm.s32 $_scs_section_size  }
0x9a: {  	s5 =	simm.s32 $_size__tile_overlayer_lowered;
	s6 =	simm.s32 $_tile_overlayer_lowered  }
0x9b: {  	s22 =	simm.s32 $0x1BFF;
	s21 =	sshll.u32 s6, $0x1;
	s3 =	sadd.s32 s4, s19  }
0x9c: {  	s7 =	simm.s32 $0x0;
	s20 =	sshll.u32 s5, $0x1;
	s5 =	sadd.s32 s21, s3  }
0x9d: {  	[timem:s7], [sflag:s22] =	dma.local [hbm:s5], s20  }
0x9e: {  	_ =	swait.ge [sflag:s22], s20  }
0x9f: {  	s4 =	ssub.s32 $0x0, s20;
	[sflag:s22] =	ssyncset.done $0x0  }
0xa0: {  	[sflag:s22] =	ssyncadd.s32 s4;
	_ =	sdelay $0x1  }
0xa1: {  	s23 =	simm.s32 $0x1B8B  }
0xa2: {  	_ =	swait.ge [sflag:s23], $0x1  }
0xa3: {  	[sflag:s23] =	ssyncset.done $0x0  }
0xa4: {  	s25 =	simm.s32 $0x1B8E;
	s24 =	sld [smem:$0x3FFE];
	[sflag:s23] =	ssyncadd.s32 $0xFFFFFFFF  }
0xa5: {  	s26 =	simm.s32 $execute0_lowered;
	[smem:$0x3FD2] =	sst s25  }
0xa6: {  	s5 =	sshll.u32 s26, $0x1;
	_ =	strace $0x80000052;
	[dreg:$0x1] =	wrdreg $0xFFFFFFFF  }
0xa7: {  	s28 =	simm.s32 $_size_execute0_lowered;
	s3 =	sadd.s32 s3, s5;
	[dreg:$0x0] =	wrdreg $0x0  }
0xa8: {  	s5 =	sshll.u32 s28, $0x1;
	[dreg:$0x2] =	wrdreg s3  }
0xa9: {  	[dreg:$0x3] =	wrdreg s5  }
0xaa: {  	[dreg:$0x4] =	wrdreg $0xC0  }
0xab: {  	_ =	task [dreg:s7], $0x5FFFF  }
0xac: {  	[dreg:$0x1] =	wrdreg $0xFFFFFFFF  }
0xad: {  	[dreg:$0x0] =	wrdreg $0x60  }
0xae: {  	[dreg:$0x2] =	wrdreg s24  }
0xaf: {  	[dreg:$0x3] =	wrdreg s2  }
0xb0: {  	[dreg:$0x4] =	wrdreg $0x64000  }
0xb1: {  	[dreg:$0x5] =	wrdreg $0x9  }
0xb2: {  	_ =	task.clear_ibuf [dreg:s7], $0x6FFFF;
	_ =	strace $0x90000052  }
0xb3: {  	s29 =	simm.s32 $0x9;
	_ =	strace $0x80000054  }
0xb4: {  	_ =	swait.ge [sflag:s29], $0x1  }
0xb5: {  	[sflag:s29] =	ssyncadd.s32 $0xFFFFFFFF  }
0xb6: {  	_ =	strace $0x90000054  }
0xb7: {  	_ =	sfence  }
0xb8: {  	s30 =	sld [smem:$0x0];
	_ =	sdelay $0x2  }
0xb9: {  	s31 =	sshll.u32 s1, $0xD;
	s1 =	sshrl.u32 s1, $0x2  }
0xba: {  	s3 =	sand.u32 $0x4000, s31;
	s1 =	sadd.s32 s1, s30  }
0xbb: {  	s0 =	sor.u32 s3, s0;
	s1 =	sshll.u32 s1, $0x11  }
0xbc: {  	s0 =	sor.u32 s1, s0  }
0xbd: {  	s0 =	sadd.s32 $0x8F2B, s0  }
0xbe: {  	[sflag:s0] =	ssyncadd.remote.s32 $0x1  }
0xbf: {  	_ =	sfence.sel $0xFFFF  }
0xc0: {  	[dreg:$0x0] =	wrdreg $0xFFFFFFFF;
	(pc) =	sbr.abs _section_cstart, $3  }
0xc1: {  	[dreg:$0x1] =	wrdreg $0xFFFFFFFF  }
0xc2: {  	_ =	task.clear_ibuf [dreg:s7], $0x2FFFF;
	_ =	strace $0x9FFFFFFF  }
0xc3: {  	(tm) =	ssettm $0x7FFFFFFF  }
tec
execute0_lowered:
.L_overlay_start_1:
0x0: {  	(tag) =	ssettag $0x1  }
0x1: {  	s4 =	rddreg [dreg:$0x0]  }
0x2: {  	s6 =	rddreg [dreg:$0x1]  }
0x3: {  	s1 =	rddreg [dreg:$0x2];
	s2 =	srdreg.scid  }
0x4: {  	s0 =	rddreg [dreg:$0x3];
	s12 =	stileid.u32;
	s17 =	simm.s32 $0x5000  }
0x5: {  	s18 =	simm.s32 $0x1;
	s19 =	simm.s32 $0x0;
	s5 =	sand.u32 $0x1, s2  }
0x6: {  	s2 =	simm.s32 $0x0;
	s9 =	smul.u32 $0x9C00, s12;
	s11 =	sadd.s32 $0x2EE00, s4  }
0x7: {  	s29 =	sshll.u32 s12, $0x6;
	s15 =	sadd.s32 $0x9C000, s1;
	p0 =	sne.s32 s12, $0x0  }
0x8: {  	s3 =	sshll.u32 s5, $0x4;
	[smem:$0x7FF] =	sst s2;
	s8 =	ssub.s32 $0x2, s5  }
0x9: {  	s30 =	smul.u32 $0x9C400, s5;
	s5 =	sor.u32 $0x1C02, s29;
	s3 =	sor.u32 s12, s3  }
0xa: {  	_ =	strace $0x80000053;
	s26 =	sshrl.u32 s8, $0x1;
	s14 =	sadd.s32 s9, s1  }
0xb: {  	s28 =	sshrl.u32 s9, $0x3;
	s7 =	smul.u32 $0x500, s3;
	s3 =	sadd.s32 $0x1B400, s4  }
0xc: {  	s13 =	ssub.s32 s8, s26;
	s9 =	sadd.s32 s9, s30;
	s16 =	sshrl.u32 s30, $0x3  }
0xd: {  	s12 =	sshrl.u32 s14, $0x3;
	s14 =	sshrl.u32 @!p0 s15, $0x3;
	s15 =	simm.s32 $0x2800  }
0xe: {  	s9 =	sshrl.u32 s9, $0x3;
	s31 =	sadd.s32 s11, s16;
	s16 =	simm.s32 $0x50  }
0xf: {  	s10 =	sadd.s32 s7, s4;
	s4 =	sadd.s32 s6, s28;
	s6 =	sadd.s32 $0x13800, s6  }
0x10: {  	s9 =	sadd.s32 s11, s9;
	s11 =	smax.u32 s13, $0x1;
	s13 =	simm.s32 $0x2  }
0x11: {  	s7 =	sadd.s32 $0x11400, s10;
	s8 =	sadd.s32 $0x9A400, s10;
	s10 =	sadd.s32 $0x13800, s31  }
.LBB2_1:
0x12: {  	[spmem:s12], [sflag:s5] =	dma.local [hbm:s4], $0x1380  }
0x13: {  	_ =	swait.ge [sflag:s13], $0x1380  }
0x14: {  	[sflag:s13] =	ssyncset.done $0x0  }
0x15: {  	s20 =	simm.s32 @!p0 $0x2;
	[sflag:s13] =	ssyncadd.s32 $0xFFFFEC80  }
0x16: {  	[spmem:s14], [sflag:s5] =	dma.local @!p0 [hbm:s6], $0xC0  }
0x17: {  	_ =	swait.ge @!p0 [sflag:s20], $0xC0  }
0x18: {  	[sflag:s20] =	ssyncset.done @!p0 $0x0  }
0x19: {  	[sflag:s20] =	ssyncadd.s32 @!p0 $0xFFFFFF40  }
0x1a: {  	[tilespmem:s2], [sflag:$0x2] =	stream.linear.gather [hbm4b:s7+s2], $0x2800, $0x38;
	[tilespmem:$0x10060] =	vst v63  }
0x1b: {  	_ =	swait.ge [sflag:s13], $0x2800  }
0x1c: {  	[sflag:s13] =	ssyncset.done $0x0  }
0x1d: {  	[sflag:s13] =	ssyncadd.s32 $0xFFFFD800  }
0x1e: {  	[tilespmem:s15], [sflag:$0x2] =	stream.linear.gather [hbm4b:s8+s2], $0x2800, $0x38;
	[tilespmem:$0x10060] =	vst v63  }
0x1f: {  	_ =	swait.ge [sflag:s13], $0x2800  }
0x20: {  	[sflag:s13] =	ssyncset.done $0x0  }
0x21: {  	[sflag:s13] =	ssyncadd.s32 $0xFFFFD800  }
0x22: {  	s30 =	simm.s32 $0x0;
	[bflag:$0x0] =	sbarrier.arrive $0xFFFF  }
0x23: {  	[tilespmem:s17], [sflag:$0x1] =	stream.indirect.gather [hbm4b:s3+s16], $0x40, s30, s16, $0xb8;
	[tilespmem:$0x10060] =	vst v63  }
0x24: {  	_ =	swait.ge [sflag:s18], $0x1400  }
0x25: {  	[sflag:s18] =	ssyncset.done $0x0  }
0x26: {  	s31 =	simm.s32 $0x2800;
	[sflag:s18] =	ssyncadd.s32 $0xFFFFEC00  }
0x27: {  	[spmem:s1] =	stream.indirect.scatter.add.f32 [tilespmem:s17], [sflag:$0x2], $0x40, s31, s16, $0xb8;
	[tilespmem:$0x10060] =	vst v63  }
0x28: {  	_ =	swait.ge [sflag:s13], $0x1400  }
0x29: {  	s21 =	simm.s32 $0x280;
	s20 =	simm.s32 $0x140;
	[sflag:s13] =	ssyncset.done $0x0  }
.LBB2_2:
0x2a: {  	s22 =	sshra.s32 s20, $0x2  }
0x2b: {  	[sflag:s13] =	ssyncadd.s32 $0xFFFFEC00;
	s20 =	smov.u32 s21;
	s23 =	sadd.s32 $0x140, s21  }
0x2c: {  	[tilespmem:s17], [sflag:$0x1] =	stream.indirect.gather [hbm4b:s3+s16], $0x40, s22, s16, $0xb8;
	[tilespmem:$0x10060] =	vst v63  }
0x2d: {  	p1 =	sne.s32 s21, $0x9EC0;
	_ =	swait.ge [sflag:s18], $0x1400  }
.Ltmp0:
0x2e: {  	[sflag:s18] =	ssyncset.done $0x0;
	(pc) =	sbr.rel @p1 .LBB2_2-.Ltmp0, $4  }
0x2f: {  	s21 =	sadd.s32 $0x2800, s22;
	[sflag:s18] =	ssyncadd.s32 $0xFFFFEC00  }
0x30: {  	[spmem:s1] =	stream.indirect.scatter.add.f32 [tilespmem:s17], [sflag:$0x2], $0x40, s21, s16, $0xb8;
	[tilespmem:$0x10060] =	vst v63  }
0x31: {  	_ =	swait.ge [sflag:s13], $0x1400  }
0x32: {  	s21 =	smov.u32 s23;
	[sflag:s13] =	ssyncset.done $0x0  }
0x33: {  	s20 =	sshra.s32 s20, $0x2;
	[sflag:s13] =	ssyncadd.s32 $0xFFFFEC00  }
0x34: {  	[tilespmem:s17], [sflag:$0x1] =	stream.indirect.gather [hbm4b:s3+s16], $0x40, s20, s16, $0xb8;
	[tilespmem:$0x10060] =	vst v63  }
0x35: {  	_ =	swait.ge [sflag:s18], $0x1400  }
0x36: {  	[sflag:s18] =	ssyncset.done $0x0  }
0x37: {  	s20 =	sadd.s32 $0x2800, s20;
	[sflag:s18] =	ssyncadd.s32 $0xFFFFEC00  }
0x38: {  	[spmem:s1] =	stream.indirect.scatter.add.f32 [tilespmem:s17], [sflag:$0x2], $0x40, s20, s16, $0xb8;
	[tilespmem:$0x10060] =	vst v63  }
0x39: {  	_ =	swait.ge [sflag:s13], $0x1400  }
0x3a: {  	[sflag:s13] =	ssyncset.done $0x0  }
0x3b: {  	[sflag:s13] =	ssyncadd.s32 $0xFFFFEC00  }
0x3c: {  	[bflag:$0x0] =	sbarrier.arrive $0xFFFF  }
0x3d: {  	[hbm:s9], [sflag:s5] =	dma.local [spmem:s12], $0x1380  }
0x3e: {  	s19 =	sadd.s32 $0x1, s19;
	_ =	swait.ge [sflag:s13], $0x1380  }
0x3f: {  	p1 =	sne.s32 s19, s11;
	[sflag:s13] =	ssyncset.done $0x0  }
.Ltmp1:
0x40: {  	s20 =	simm.s32 @!p0 $0x2;
	[sflag:s13] =	ssyncadd.s32 $0xFFFFEC80;
	(pc) =	sbr.rel @p1 .LBB2_1-.Ltmp1, $4  }
0x41: {  	[hbm:s10], [sflag:s5] =	dma.local @!p0 [spmem:s14], $0x80  }
0x42: {  	_ =	swait.ge @!p0 [sflag:s20], $0x80  }
0x43: {  	[sflag:s20] =	ssyncset.done @!p0 $0x0  }
0x44: {  	[sflag:s20] =	ssyncadd.s32 @!p0 $0xFFFFFF80  }
0x45: {  	_ =	sfence.sel $0x180000  }
0x46: {  	[bflag:$0x0] =	sbarrier.arrive $0xFFFF  }
0x47: {  	_ =	strace $0x90000053  }
0x48: {  	s0 =	sadd.s32 @!p0 $0x100000, s0;
	[bflag:$0x2] =	sbarrier.arrive $0xFFFF  }
0x49: {  	[sflag:s0] =	ssyncadd.tile.s32 @!p0 $0x1;
	_ =	shalt  }
.Lfunc_end2:
_tile_overlayer_lowered:
.L_overlay_start_2:
0x4a: {  	(tag) =	ssettag $0x2  }
0x4b: {  	s0 =	rddreg [dreg:$0x0];
	s2 =	stileid.u32  }
0x4c: {  	s1 =	rddreg [dreg:$0x1];
	p0 =	sne.s32 s2, $0x0  }
0x4d: {  	s3 =	rddreg [dreg:$0x2];
	[bflag:$0x3] =	sbarrier.arrive $0xFFFF;
	s2 =	simm.s32 @!p0 $0x1C02  }
0x4e: {  	[timem:s3], [sflag:s2] =	dma.local @!p0 [hbm:s0], s1  }
0x4f: {  	s0 =	simm.s32 @!p0 $0x2  }
0x50: {  	_ =	swait.ge @!p0 [sflag:s0], s1  }
0x51: {  	s1 =	ssub.s32 @!p0 $0x0, s1;
	[sflag:s0] =	ssyncset.done @!p0 $0x0  }
0x52: {  	[sflag:s0] =	ssyncadd.s32 @!p0 s1  }
0x53: {  	[bflag:$0x3] =	sbarrier.arrive $0xFFFF  }
0x54: {  	_ =	shalt  }

// kernel: kernel.23.cloned.1.call-start
scs
__scs_entry_jumppad:
0x0: {  	(pc) =	sbr.rel $0x88, $3  }
0x1: {  	(tag) =	ssettag $0x0;
	lr =	simm.s32 $0x1  }
0x2: {  	[smem:$0x3F87] =	sst lr;
	_ =	strace $0xD0000000  }
0x3: {  	_ = 	snop  }
0x4: {  	_ = 	snop  }
0x5: {  	_ = 	snop  }
0x6: {  	_ = 	snop  }
0x7: {  	_ = 	snop  }
__scs_overlays_trampoline_lowered:
0x8: {  	[smem:$0x3F96] =	sst s0  }
0x9: {  	[smem:$0x3F97] =	sst s1  }
0xa: {  	[smem:$0x3F98] =	sst s2  }
0xb: {  	[smem:$0x3F99] =	sst s3  }
0xc: {  	[smem:$0x3F9A] =	sst s4  }
0xd: {  	[smem:$0x3F9B] =	sst s5  }
0xe: {  	[smem:$0x3F9C] =	sst s6  }
0xf: {  	[smem:$0x3F9D] =	sst s7  }
0x10: {  	[smem:$0x3F9E] =	sst s8  }
0x11: {  	[smem:$0x3F9F] =	sst s9;
	s0 =	simm.s32 @!p0 $0x0  }
0x12: {  	s1 =	sld [smem:$0x3F85];
	s0 =	simm.s32 @p0 $0x1  }
0x13: {  	[smem:$0x3FA0] =	sst s0;
	s0 =	simm.s32 @!p1 $0x0  }
0x14: {  	s2 =	sld [smem:$0x3F84];
	s0 =	simm.s32 @p1 $0x1  }
0x15: {  	[smem:$0x3FA1] =	sst s0;
	s0 =	simm.s32 @!p2 $0x0  }
0x16: {  	s3 =	sld [smem:$0x3FDB];
	s0 =	simm.s32 @p2 $0x1  }
0x17: {  	s4 =	simm.s32 $0x1BF5;
	[smem:$0x3FA3] =	sst s0  }
0x18: {  	s0 =	sld [smem:$0x3F86];
	_ =	swait.ge [sflag:s4], $0x0  }
0x19: {  	s7 =	sld [smem:$0x3F87]  }
0x1a: {  	s8 =	sadd.s32 $0xFFFFE003, lr  }
0x1b: {  	s9 =	sadd.s32 $0xFFFFFEF7, lr;
	s5 =	simm.s32 $0xFFFFFFFF;
	p2 =	slt.u32 s8, $0xFFFFF086  }
0x1c: {  	p1 =	slt.u32 s9, $0xF7A;
	s5 =	simm.s32 @!p2 $0x0  }
0x1d: {  	s5 =	simm.s32 @p1 $0x1;
	p0 =	seq.s32 s7, s2  }
0x1e: {  	s7 =	smul.u32 @!p0 $0xF7A, s2;
	p2 =	seq.s32 @!p0 s5, $0x0  }
0x1f: {  	s9 =	smul.u32 $0xF7A, s1;
	s8 =	simm.s32 @!p0 $0x1BF5;
	p2 =	por !p2, p0  }
0x20: {  	[sflag:s8] =	ssyncset.s32 @!p0 $0xFFFFF086;
	s6 =	sadd.s32 @!p0 s3, s7;
	s7 =	simm.s32 @!p0 $0x108  }
0x21: {  	s3 =	sadd.s32 s3, s9;
	s6 =	sadd.s32 @!p0 $0x88, s6;
	s7 =	simm.s32 @p2 $0x1082  }
0x22: {  	[simem:s7], [sflag:s8] =	dma.local @!p0 [hbm:s6], $0xF7A  }
0x23: {  	s9 =	sor.u32 $0xD0000000, s2;
	s6 =	simm.s32 $0x108;
	_ =	swait.ge @!p0 [sflag:s8], $0x0  }
0x24: {  	s3 =	sadd.s32 $0x88, s3;
	s6 =	simm.s32 @!p1 $0x1082;
	[sflag:s4] =	ssyncset.s32 $0xFFFFF086  }
0x25: {  	[simem:s6], [sflag:s4] =	dma.local [hbm:s3], $0xF7A  }
0x26: {  	[smem:$0x3F87] =	sst s1;
	(tag) =	ssettag s2;
	_ =	strace s9  }
0x27: {  	s1 =	sld [smem:$0x3F97]  }
0x28: {  	s2 =	sld [smem:$0x3F98]  }
0x29: {  	s4 =	sld [smem:$0x3F9A]  }
0x2a: {  	p0 =	seq.s32 s5, $0x0;
	s5 =	sld [smem:$0x3F9B]  }
0x2b: {  	s6 =	sld [smem:$0x3F9C]  }
0x2c: {  	s7 =	sld [smem:$0x3F9D]  }
0x2d: {  	s3 =	simm.s32 $0x108;
	s8 =	sld [smem:$0x3F9E]  }
0x2e: {  	s3 =	simm.s32 @!p0 $0x1082;
	s9 =	sld [smem:$0x3F9F]  }
0x2f: {  	lr =	sadd.s32 s0, s3;
	s0 =	sld [smem:$0x3F96]  }
0x30: {  	s3 =	sld [smem:$0x3F99]  }
0x31: {  	[smem:$0x3FA2] =	sst s10  }
0x32: {  	s10 =	sld [smem:$0x3FA0];
	_ =	sdelay $0x3  }
0x33: {  	p0 =	seq.s32 s10, $0x1;
	s10 =	sld [smem:$0x3FA2];
	_ =	sdelay $0x3  }
0x34: {  	[smem:$0x3FA2] =	sst s10  }
0x35: {  	s10 =	sld [smem:$0x3FA1];
	_ =	sdelay $0x3  }
0x36: {  	p1 =	seq.s32 s10, $0x1;
	s10 =	sld [smem:$0x3FA2];
	_ =	sdelay $0x3  }
0x37: {  	[smem:$0x3FA2] =	sst s10  }
0x38: {  	s10 =	sld [smem:$0x3FA3]  }
0x39: {  	_ = 	snop;
	(pc) =	sbr.ind lr, $3  }
0x3a: {  	_ = 	snop  }
0x3b: {  	_ = 	snop  }
0x3c: {  	p2 =	seq.s32 s10, $0x1;
	s10 =	sld [smem:$0x3FA2]  }
0x3d: {  	_ =	shalt  }
0x3e: {  	_ =	shalt  }
0x3f: {  	_ =	shalt  }
0x40: {  	_ =	shalt  }
0x41: {  	_ =	shalt  }
0x42: {  	_ =	shalt  }
0x43: {  	_ =	shalt  }
0x44: {  	_ =	shalt  }
0x45: {  	_ =	shalt  }
0x46: {  	_ =	shalt  }
0x47: {  	_ =	shalt  }
0x48: {  	_ =	shalt  }
0x49: {  	_ =	shalt  }
0x4a: {  	_ =	shalt  }
0x4b: {  	_ =	shalt  }
0x4c: {  	_ =	shalt  }
0x4d: {  	_ =	shalt  }
0x4e: {  	_ =	shalt  }
0x4f: {  	_ =	shalt  }
0x50: {  	_ =	shalt  }
0x51: {  	_ =	shalt  }
0x52: {  	_ =	shalt  }
0x53: {  	_ =	shalt  }
0x54: {  	_ =	shalt  }
0x55: {  	_ =	shalt  }
0x56: {  	_ =	shalt  }
0x57: {  	_ =	shalt  }
0x58: {  	_ =	shalt  }
0x59: {  	_ =	shalt  }
0x5a: {  	_ =	shalt  }
0x5b: {  	_ =	shalt  }
0x5c: {  	_ =	shalt  }
0x5d: {  	_ =	shalt  }
0x5e: {  	_ =	shalt  }
0x5f: {  	_ =	shalt  }
0x60: {  	_ =	shalt  }
0x61: {  	_ =	shalt  }
0x62: {  	_ =	shalt  }
0x63: {  	_ =	shalt  }
0x64: {  	_ =	shalt  }
0x65: {  	_ =	shalt  }
0x66: {  	_ =	shalt  }
0x67: {  	_ =	shalt  }
0x68: {  	_ =	shalt  }
0x69: {  	_ =	shalt  }
0x6a: {  	_ =	shalt  }
0x6b: {  	_ =	shalt  }
0x6c: {  	_ =	shalt  }
0x6d: {  	_ =	shalt  }
0x6e: {  	_ =	shalt  }
0x6f: {  	_ =	shalt  }
0x70: {  	_ =	shalt  }
0x71: {  	_ =	shalt  }
0x72: {  	_ =	shalt  }
0x73: {  	_ =	shalt  }
0x74: {  	_ =	shalt  }
0x75: {  	_ =	shalt  }
0x76: {  	_ =	shalt  }
0x77: {  	_ =	shalt  }
0x78: {  	_ =	shalt  }
0x79: {  	_ =	shalt  }
0x7a: {  	_ =	shalt  }
0x7b: {  	_ =	shalt  }
0x7c: {  	_ =	shalt  }
0x7d: {  	_ =	shalt  }
0x7e: {  	_ =	shalt  }
0x7f: {  	_ =	shalt  }
0x80: {  	_ =	shalt  }
0x81: {  	_ =	shalt  }
0x82: {  	_ =	shalt  }
0x83: {  	_ =	shalt  }
0x84: {  	_ =	shalt  }
0x85: {  	_ =	shalt  }
0x86: {  	_ =	shalt  }
0x87: {  	_ =	shalt  }
.Lfunc_end0:
.L_simem_size_0:
called_computation.5_lowered:
.L_overlay_start_0:
0x88: {  	s2 =	sld [smem:$0x3FD9]  }
0x89: {  	s3 =	sld [smem:$0x3FFE];
	_ =	sdelay $0x1  }
0x8a: {  	s1 =	srdreg.scid  }
0x8b: {  	s0 =	sand.u32 $0x1, s1  }
0x8c: {  	s17 =	sshll.u32 s0, $0xA;
	s2 =	sadd.s32 s3, s2  }
0x8d: {  	s2 =	sadd.s32 s2, s17  }
0x8e: {  	[smem:$0x3FAE] =	sst s2  }
0x8f: {  	_ = 	snop  }
0x90: {  	s2 =	sld [smem:$0x3FD0];
	(tm) =	ssettm $0x1  }
0x91: {  	s18 =	sld [smem:$0x3FFB];
	_ =	sdelay $0x3  }
0x92: {  	_ =	strace s18  }
0x93: {  	s3 =	sld [smem:$0x3FFC];
	_ =	sdelay $0x3  }
0x94: {  	_ =	strace s3  }
0x95: {  	s3 =	sld [smem:$0x3FFD];
	_ =	sdelay $0x3  }
0x96: {  	_ =	strace s3  }
0x97: {  	_ =	strace $0x8FFFFFFF  }
0x98: {  	s19 =	sld [smem:$0x3FDB];
	_ =	sdelay $0x1  }
0x99: {  	s4 =	simm.s32 $_scs_section_size  }
0x9a: {  	s5 =	simm.s32 $_size__tile_overlayer_lowered;
	s6 =	simm.s32 $_tile_overlayer_lowered  }
0x9b: {  	s22 =	simm.s32 $0x1BFF;
	s21 =	sshll.u32 s6, $0x1;
	s3 =	sadd.s32 s4, s19  }
0x9c: {  	s7 =	simm.s32 $0x0;
	s20 =	sshll.u32 s5, $0x1;
	s5 =	sadd.s32 s21, s3  }
0x9d: {  	[timem:s7], [sflag:s22] =	dma.local [hbm:s5], s20  }
0x9e: {  	_ =	swait.ge [sflag:s22], s20  }
0x9f: {  	s4 =	ssub.s32 $0x0, s20;
	[sflag:s22] =	ssyncset.done $0x0  }
0xa0: {  	[sflag:s22] =	ssyncadd.s32 s4;
	_ =	sdelay $0x1  }
0xa1: {  	s23 =	simm.s32 $0x1B8B  }
0xa2: {  	_ =	swait.ge [sflag:s23], $0x1  }
0xa3: {  	[sflag:s23] =	ssyncset.done $0x0  }
0xa4: {  	s25 =	simm.s32 $0x1B8E;
	s24 =	sld [smem:$0x3FFE];
	[sflag:s23] =	ssyncadd.s32 $0xFFFFFFFF  }
0xa5: {  	s26 =	simm.s32 $execute0_lowered;
	[smem:$0x3FD2] =	sst s25  }
0xa6: {  	s5 =	sshll.u32 s26, $0x1;
	_ =	strace $0x80000055;
	[dreg:$0x1] =	wrdreg $0xFFFFFFFF  }
0xa7: {  	s28 =	simm.s32 $_size_execute0_lowered;
	s3 =	sadd.s32 s3, s5;
	[dreg:$0x0] =	wrdreg $0x0  }
0xa8: {  	s5 =	sshll.u32 s28, $0x1;
	[dreg:$0x2] =	wrdreg s3  }
0xa9: {  	[dreg:$0x3] =	wrdreg s5  }
0xaa: {  	[dreg:$0x4] =	wrdreg $0xC0  }
0xab: {  	_ =	task [dreg:s7], $0x5FFFF  }
0xac: {  	[dreg:$0x1] =	wrdreg $0xFFFFFFFF  }
0xad: {  	[dreg:$0x0] =	wrdreg $0x60  }
0xae: {  	[dreg:$0x2] =	wrdreg s24  }
0xaf: {  	[dreg:$0x3] =	wrdreg s2  }
0xb0: {  	[dreg:$0x4] =	wrdreg $0x64000  }
0xb1: {  	[dreg:$0x5] =	wrdreg $0x9  }
0xb2: {  	_ =	task.clear_ibuf [dreg:s7], $0x6FFFF;
	_ =	strace $0x90000055  }
0xb3: {  	s29 =	simm.s32 $0x9;
	_ =	strace $0x80000057  }
0xb4: {  	_ =	swait.ge [sflag:s29], $0x1  }
0xb5: {  	[sflag:s29] =	ssyncadd.s32 $0xFFFFFFFF  }
0xb6: {  	_ =	strace $0x90000057  }
0xb7: {  	_ =	sfence  }
0xb8: {  	s30 =	sld [smem:$0x0];
	_ =	sdelay $0x2  }
0xb9: {  	s31 =	sshll.u32 s1, $0xD;
	s1 =	sshrl.u32 s1, $0x2  }
0xba: {  	s3 =	sand.u32 $0x4000, s31;
	s1 =	sadd.s32 s1, s30  }
0xbb: {  	s0 =	sor.u32 s3, s0;
	s1 =	sshll.u32 s1, $0x11  }
0xbc: {  	s0 =	sor.u32 s1, s0  }
0xbd: {  	s0 =	sadd.s32 $0x8F2B, s0  }
0xbe: {  	[sflag:s0] =	ssyncadd.remote.s32 $0x1  }
0xbf: {  	_ =	sfence.sel $0xFFFF  }
0xc0: {  	[dreg:$0x0] =	wrdreg $0xFFFFFFFF;
	(pc) =	sbr.abs _section_cstart, $3  }
0xc1: {  	[dreg:$0x1] =	wrdreg $0xFFFFFFFF  }
0xc2: {  	_ =	task.clear_ibuf [dreg:s7], $0x2FFFF;
	_ =	strace $0x9FFFFFFF  }
0xc3: {  	(tm) =	ssettm $0x7FFFFFFF  }
tec
execute0_lowered:
.L_overlay_start_1:
0x0: {  	(tag) =	ssettag $0x1  }
0x1: {  	s4 =	rddreg [dreg:$0x0]  }
0x2: {  	s6 =	rddreg [dreg:$0x1]  }
0x3: {  	s1 =	rddreg [dreg:$0x2];
	s2 =	srdreg.scid  }
0x4: {  	s0 =	rddreg [dreg:$0x3];
	s12 =	stileid.u32;
	s17 =	simm.s32 $0x5000  }
0x5: {  	s18 =	simm.s32 $0x1;
	s19 =	simm.s32 $0x0;
	s5 =	sand.u32 $0x1, s2  }
0x6: {  	s2 =	simm.s32 $0x0;
	s9 =	smul.u32 $0x9C00, s12;
	s11 =	sadd.s32 $0x2EE00, s4  }
0x7: {  	s29 =	sshll.u32 s12, $0x6;
	s15 =	sadd.s32 $0x9C000, s1;
	p0 =	sne.s32 s12, $0x0  }
0x8: {  	s3 =	sshll.u32 s5, $0x4;
	[smem:$0x7FF] =	sst s2;
	s8 =	ssub.s32 $0x2, s5  }
0x9: {  	s30 =	smul.u32 $0x9C400, s5;
	s5 =	sor.u32 $0x1C02, s29;
	s3 =	sor.u32 s12, s3  }
0xa: {  	_ =	strace $0x80000056;
	s26 =	sshrl.u32 s8, $0x1;
	s14 =	sadd.s32 s9, s1  }
0xb: {  	s28 =	sshrl.u32 s9, $0x3;
	s7 =	smul.u32 $0x500, s3;
	s3 =	sadd.s32 $0x1B400, s4  }
0xc: {  	s13 =	ssub.s32 s8, s26;
	s9 =	sadd.s32 s9, s30;
	s16 =	sshrl.u32 s30, $0x3  }
0xd: {  	s12 =	sshrl.u32 s14, $0x3;
	s14 =	sshrl.u32 @!p0 s15, $0x3;
	s15 =	simm.s32 $0x2800  }
0xe: {  	s9 =	sshrl.u32 s9, $0x3;
	s31 =	sadd.s32 s11, s16;
	s16 =	simm.s32 $0x50  }
0xf: {  	s10 =	sadd.s32 s7, s4;
	s4 =	sadd.s32 s6, s28;
	s6 =	sadd.s32 $0x13800, s6  }
0x10: {  	s9 =	sadd.s32 s11, s9;
	s11 =	smax.u32 s13, $0x1;
	s13 =	simm.s32 $0x2  }
0x11: {  	s7 =	sadd.s32 $0x11400, s10;
	s8 =	sadd.s32 $0x9A400, s10;
	s10 =	sadd.s32 $0x13800, s31  }
.LBB2_1:
0x12: {  	[spmem:s12], [sflag:s5] =	dma.local [hbm:s4], $0x1380  }
0x13: {  	_ =	swait.ge [sflag:s13], $0x1380  }
0x14: {  	[sflag:s13] =	ssyncset.done $0x0  }
0x15: {  	s20 =	simm.s32 @!p0 $0x2;
	[sflag:s13] =	ssyncadd.s32 $0xFFFFEC80  }
0x16: {  	[spmem:s14], [sflag:s5] =	dma.local @!p0 [hbm:s6], $0xC0  }
0x17: {  	_ =	swait.ge @!p0 [sflag:s20], $0xC0  }
0x18: {  	[sflag:s20] =	ssyncset.done @!p0 $0x0  }
0x19: {  	[sflag:s20] =	ssyncadd.s32 @!p0 $0xFFFFFF40  }
0x1a: {  	[tilespmem:s2], [sflag:$0x2] =	stream.linear.gather [hbm4b:s7+s2], $0x2800, $0x38;
	[tilespmem:$0x10060] =	vst v63  }
0x1b: {  	_ =	swait.ge [sflag:s13], $0x2800  }
0x1c: {  	[sflag:s13] =	ssyncset.done $0x0  }
0x1d: {  	[sflag:s13] =	ssyncadd.s32 $0xFFFFD800  }
0x1e: {  	[tilespmem:s15], [sflag:$0x2] =	stream.linear.gather [hbm4b:s8+s2], $0x2800, $0x38;
	[tilespmem:$0x10060] =	vst v63  }
0x1f: {  	_ =	swait.ge [sflag:s13], $0x2800  }
0x20: {  	[sflag:s13] =	ssyncset.done $0x0  }
0x21: {  	[sflag:s13] =	ssyncadd.s32 $0xFFFFD800  }
0x22: {  	s30 =	simm.s32 $0x0;
	[bflag:$0x0] =	sbarrier.arrive $0xFFFF  }
0x23: {  	[tilespmem:s17], [sflag:$0x1] =	stream.indirect.gather [hbm4b:s3+s16], $0x40, s30, s16, $0xb8;
	[tilespmem:$0x10060] =	vst v63  }
0x24: {  	_ =	swait.ge [sflag:s18], $0x1400  }
0x25: {  	[sflag:s18] =	ssyncset.done $0x0  }
0x26: {  	s31 =	simm.s32 $0x2800;
	[sflag:s18] =	ssyncadd.s32 $0xFFFFEC00  }
0x27: {  	[spmem:s1] =	stream.indirect.scatter.add.f32 [tilespmem:s17], [sflag:$0x2], $0x40, s31, s16, $0xb8;
	[tilespmem:$0x10060] =	vst v63  }
0x28: {  	_ =	swait.ge [sflag:s13], $0x1400  }
0x29: {  	s21 =	simm.s32 $0x280;
	s20 =	simm.s32 $0x140;
	[sflag:s13] =	ssyncset.done $0x0  }
.LBB2_2:
0x2a: {  	s22 =	sshra.s32 s20, $0x2  }
0x2b: {  	[sflag:s13] =	ssyncadd.s32 $0xFFFFEC00;
	s20 =	smov.u32 s21;
	s23 =	sadd.s32 $0x140, s21  }
0x2c: {  	[tilespmem:s17], [sflag:$0x1] =	stream.indirect.gather [hbm4b:s3+s16], $0x40, s22, s16, $0xb8;
	[tilespmem:$0x10060] =	vst v63  }
0x2d: {  	p1 =	sne.s32 s21, $0x9EC0;
	_ =	swait.ge [sflag:s18], $0x1400  }
.Ltmp0:
0x2e: {  	[sflag:s18] =	ssyncset.done $0x0;
	(pc) =	sbr.rel @p1 .LBB2_2-.Ltmp0, $4  }
0x2f: {  	s21 =	sadd.s32 $0x2800, s22;
	[sflag:s18] =	ssyncadd.s32 $0xFFFFEC00  }
0x30: {  	[spmem:s1] =	stream.indirect.scatter.add.f32 [tilespmem:s17], [sflag:$0x2], $0x40, s21, s16, $0xb8;
	[tilespmem:$0x10060] =	vst v63  }
0x31: {  	_ =	swait.ge [sflag:s13], $0x1400  }
0x32: {  	s21 =	smov.u32 s23;
	[sflag:s13] =	ssyncset.done $0x0  }
0x33: {  	s20 =	sshra.s32 s20, $0x2;
	[sflag:s13] =	ssyncadd.s32 $0xFFFFEC00  }
0x34: {  	[tilespmem:s17], [sflag:$0x1] =	stream.indirect.gather [hbm4b:s3+s16], $0x40, s20, s16, $0xb8;
	[tilespmem:$0x10060] =	vst v63  }
0x35: {  	_ =	swait.ge [sflag:s18], $0x1400  }
0x36: {  	[sflag:s18] =	ssyncset.done $0x0  }
0x37: {  	s20 =	sadd.s32 $0x2800, s20;
	[sflag:s18] =	ssyncadd.s32 $0xFFFFEC00  }
0x38: {  	[spmem:s1] =	stream.indirect.scatter.add.f32 [tilespmem:s17], [sflag:$0x2], $0x40, s20, s16, $0xb8;
	[tilespmem:$0x10060] =	vst v63  }
0x39: {  	_ =	swait.ge [sflag:s13], $0x1400  }
0x3a: {  	[sflag:s13] =	ssyncset.done $0x0  }
0x3b: {  	[sflag:s13] =	ssyncadd.s32 $0xFFFFEC00  }
0x3c: {  	[bflag:$0x0] =	sbarrier.arrive $0xFFFF  }
0x3d: {  	[hbm:s9], [sflag:s5] =	dma.local [spmem:s12], $0x1380  }
0x3e: {  	s19 =	sadd.s32 $0x1, s19;
	_ =	swait.ge [sflag:s13], $0x1380  }
0x3f: {  	p1 =	sne.s32 s19, s11;
	[sflag:s13] =	ssyncset.done $0x0  }
.Ltmp1:
0x40: {  	s20 =	simm.s32 @!p0 $0x2;
	[sflag:s13] =	ssyncadd.s32 $0xFFFFEC80;
	(pc) =	sbr.rel @p1 .LBB2_1-.Ltmp1, $4  }
0x41: {  	[hbm:s10], [sflag:s5] =	dma.local @!p0 [spmem:s14], $0x80  }
0x42: {  	_ =	swait.ge @!p0 [sflag:s20], $0x80  }
0x43: {  	[sflag:s20] =	ssyncset.done @!p0 $0x0  }
0x44: {  	[sflag:s20] =	ssyncadd.s32 @!p0 $0xFFFFFF80  }
0x45: {  	_ =	sfence.sel $0x180000  }
0x46: {  	[bflag:$0x0] =	sbarrier.arrive $0xFFFF  }
0x47: {  	_ =	strace $0x90000056  }
0x48: {  	s0 =	sadd.s32 @!p0 $0x100000, s0;
	[bflag:$0x2] =	sbarrier.arrive $0xFFFF  }
0x49: {  	[sflag:s0] =	ssyncadd.tile.s32 @!p0 $0x1;
	_ =	shalt  }
.Lfunc_end2:
_tile_overlayer_lowered:
.L_overlay_start_2:
0x4a: {  	(tag) =	ssettag $0x2  }
0x4b: {  	s0 =	rddreg [dreg:$0x0];
	s2 =	stileid.u32  }
0x4c: {  	s1 =	rddreg [dreg:$0x1];
	p0 =	sne.s32 s2, $0x0  }
0x4d: {  	s3 =	rddreg [dreg:$0x2];
	[bflag:$0x3] =	sbarrier.arrive $0xFFFF;
	s2 =	simm.s32 @!p0 $0x1C02  }
0x4e: {  	[timem:s3], [sflag:s2] =	dma.local @!p0 [hbm:s0], s1  }
0x4f: {  	s0 =	simm.s32 @!p0 $0x2  }
0x50: {  	_ =	swait.ge @!p0 [sflag:s0], s1  }
0x51: {  	s1 =	ssub.s32 @!p0 $0x0, s1;
	[sflag:s0] =	ssyncset.done @!p0 $0x0  }
0x52: {  	[sflag:s0] =	ssyncadd.s32 @!p0 s1  }
0x53: {  	[bflag:$0x3] =	sbarrier.arrive $0xFFFF  }
0x54: {  	_ =	shalt  }

</sc_bundles>
